<compile_context>
chip_gen: v7x
topology: tpu7x:2x2x1
jax: 0.10.2.dev20260603
libtpu: 0.0.44.dev20260713+nightly
codegen_flags: <defaults>
</compile_context>

<pallas_src>
import functools

import jax
import jax.numpy as jnp
from jax import lax
from jax.experimental import pallas as pl
from jax.experimental.pallas import tpu as pltpu
from jax.experimental.pallas import tpu_sc as plsc

N = 10000
E = 160000
DF = 256
DL = 512

NC = 2
NS = 16
LANES = 16
QW = 128
NQ = 2

NPAD = 10240
EPAD = 163840
CHUNK = 128
CHUNK_C = 80
NBUF = 4
CA = EPAD // (NC * NS) // CHUNK
CC = EPAD // NS // CHUNK_C
RPT = NPAD // NS

_mesh = plsc.VectorSubcoreMesh(core_axis_name="c", subcore_axis_name="s")
_sc_params = pltpu.CompilerParams(
    needs_layout_passes=False, use_tc_tiling_on_sc=False
)


@functools.partial(
    pl.kernel,
    out_type=jax.ShapeDtypeStruct((NC * NS, NPAD), jnp.float32),
    mesh=_mesh,
    compiler_params=_sc_params,
    scratch_types=[
        pltpu.VMEM((CA, CHUNK), jnp.int32),
        pltpu.VMEM((NPAD,), jnp.float32),
    ],
)
def _deg_kernel(dst_hbm, deg_out, idx_v, hist_v):
    cid = lax.axis_index("c")
    sid = lax.axis_index("s")
    wid = sid * NC + cid

    @pl.loop(0, NPAD // LANES)
    def _zero(i):
        hist_v[pl.ds(i * LANES, LANES)] = jnp.zeros((LANES,), jnp.float32)

    pltpu.sync_copy(dst_hbm.at[wid], idx_v)
    ones = jnp.full((LANES,), 1.0, jnp.float32)

    @pl.loop(0, CA)
    def _chunk(j):
        @pl.loop(0, CHUNK // LANES)
        def _vec(k):
            idx = idx_v[j, pl.ds(k * LANES, LANES)]
            plsc.addupdate_scatter(hist_v, [idx], ones)

    pltpu.sync_copy(hist_v, deg_out.at[wid])


def _prep_body(parts_ref, x_ref, dis_ref, x4_ref):
    deg = jnp.sum(parts_ref[...], axis=0) + 1.0
    dis = jax.lax.rsqrt(deg)[:, None]
    dis_ref[...] = dis
    for q in range(NQ):
        x4_ref[q] = (x_ref[:, q * QW:(q + 1) * QW] * dis).astype(jnp.bfloat16)


def _prep(parts, x):
    blk = 1024
    grid = NPAD // blk
    return pl.pallas_call(
        _prep_body,
        grid=(grid,),
        in_specs=[
            pl.BlockSpec((NC * NS, blk), lambda i: (0, i)),
            pl.BlockSpec((blk, DF), lambda i: (i, 0)),
        ],
        out_specs=[
            pl.BlockSpec((blk, 1), lambda i: (i, 0)),
            pl.BlockSpec((NQ, blk, QW), lambda i: (0, i, 0)),
        ],
        out_shape=[
            jax.ShapeDtypeStruct((NPAD, 1), jnp.float32),
            jax.ShapeDtypeStruct((NQ, NPAD, QW), jnp.bfloat16),
        ],
    )(parts, x)


@functools.partial(
    pl.kernel,
    out_type=jax.ShapeDtypeStruct((NQ, NPAD, QW), jnp.bfloat16),
    mesh=_mesh,
    compiler_params=_sc_params,
    scratch_types=[
        pltpu.VMEM((CC, CHUNK_C), jnp.int32),
        pltpu.VMEM((CC, CHUNK_C), jnp.int32),
        [pltpu.VMEM((CHUNK_C, QW), jnp.bfloat16)] * NBUF,
        [pltpu.SemaphoreType.DMA] * NBUF,
        [pltpu.SemaphoreType.DMA] * NBUF,
        pltpu.VMEM_SHARED((NPAD, QW), jnp.bfloat16),
        pltpu.VMEM_SHARED((NPAD, QW), jnp.bfloat16),
    ],
)
def _agg_kernel(x4_hbm, src_hbm, dst_hbm, s_out, src_v, dst_v, gbufs, gsems,
                ssems, x_sh, s_sh):
    cid = lax.axis_index("c")
    sid = lax.axis_index("s")

    pltpu.sync_copy(src_hbm.at[sid], src_v)
    pltpu.sync_copy(dst_hbm.at[sid], dst_v)

    def _gather(c, b):
        return pltpu.make_async_copy(x_sh.at[src_v.at[c]], gbufs[b], gsems[b])

    def _scatter(c, b):
        return pltpu.make_async_copy(gbufs[b], s_sh.at[dst_v.at[c]], ssems[b])

    for p in range(1):
        q = cid
        pltpu.sync_copy(
            x4_hbm.at[q, pl.ds(sid * RPT, RPT)],
            x_sh.at[pl.ds(sid * RPT, RPT)],
        )
        pltpu.sync_copy(
            x4_hbm.at[q, pl.ds(sid * RPT, RPT)],
            s_sh.at[pl.ds(sid * RPT, RPT)],
        )
        plsc.subcore_barrier()

        pltpu.async_copy(x_sh.at[src_v.at[0]], gbufs[0], gsems[0])
        pltpu.async_copy(x_sh.at[src_v.at[1]], gbufs[1], gsems[1])

        @pl.loop(0, CC, step=NBUF)
        def _edges(j):
            for b in range(NBUF):
                c = j + b
                nb = (b + 2) % NBUF

                @pl.when(c + 2 < CC)
                def _refill():
                    @pl.when(c >= 2)
                    def _retire():
                        _scatter(c - 2, nb).wait()

                    pltpu.async_copy(
                        x_sh.at[src_v.at[c + 2]], gbufs[nb], gsems[nb]
                    )

                _gather(c, b).wait()
                pltpu.async_copy(
                    gbufs[b], s_sh.at[dst_v.at[c]], ssems[b], add=True
                )

        for t in range(CC - NBUF, CC):
            _scatter(t, t % NBUF).wait()

        plsc.subcore_barrier()
        pltpu.sync_copy(
            s_sh.at[pl.ds(sid * RPT, RPT)],
            s_out.at[q, pl.ds(sid * RPT, RPT)],
        )
        plsc.subcore_barrier()


def _mm_body(s_ref, dis_ref, w_ref, b_ref, out_ref):
    w = w_ref[...]
    acc = jnp.dot(
        s_ref[0].astype(jnp.float32), w[:QW], preferred_element_type=jnp.float32
    )
    acc = acc + jnp.dot(
        s_ref[1].astype(jnp.float32), w[QW:], preferred_element_type=jnp.float32
    )
    out_ref[...] = acc * dis_ref[...] + b_ref[...]


def _matmul(s, dis, w, b):
    blk = 1000
    grid = N // blk
    return pl.pallas_call(
        _mm_body,
        grid=(grid,),
        in_specs=[
            pl.BlockSpec((NQ, blk, QW), lambda i: (0, i, 0)),
            pl.BlockSpec((blk, 1), lambda i: (i, 0)),
            pl.BlockSpec((DF, DL), lambda i: (0, 0)),
            pl.BlockSpec((1, DL), lambda i: (0, 0)),
        ],
        out_specs=pl.BlockSpec((blk, DL), lambda i: (i, 0)),
        out_shape=jax.ShapeDtypeStruct((N, DL), jnp.float32),
    )(s, dis, w, b)


def kernel(x, reg_edge_index, W_mu, b_mu):
    src = reg_edge_index[0].astype(jnp.int32)
    dst = reg_edge_index[1].astype(jnp.int32)
    pad = EPAD - E
    srcp = jnp.concatenate([src, jnp.zeros((pad,), jnp.int32)])
    dstp = jnp.concatenate([dst, jnp.full((pad,), N, jnp.int32)])

    dst_a = dstp.reshape(NC * NS, CA, CHUNK)
    src_c = srcp.reshape(NS, CC, CHUNK_C)
    dst_c = dstp.reshape(NS, CC, CHUNK_C)

    parts = _deg_kernel(dst_a)
    dis, x4 = _prep(parts, x)
    s = _agg_kernel(x4, src_c, dst_c)
    return _matmul(s, dis, W_mu, b_mu.reshape(1, DL))

# --- scband reference (transcript-rebuilt; emitter-appended) ---
"""Pipeline reference for scband-reg-encoder-87402584473724 (READ-ONLY COPY).

The authoritative reference and input builder live on the scoring server;
editing this copy changes nothing except your own understanding.
"""

import jax, jax.numpy as jnp
import numpy as np

N_NODES = 10000
N_EDGES = 160000
D_FEAT = 256
LATENT = 512

def setup_inputs(seed: int = 0) -> dict:
    key = jax.random.key(seed)
    k1, k2, k3, k4 = jax.random.split(key, 4)
    x = jax.random.normal(k1, (N_NODES, D_FEAT), dtype=jnp.float32)
    reg_edge_index = jax.random.randint(k2, (2, N_EDGES), 0, N_NODES, dtype=jnp.int64)
    # GCNConv(-1 -> latent_size) parameters (lazy in_channels resolved to D_FEAT)
    W_mu = jax.random.normal(k3, (D_FEAT, LATENT), dtype=jnp.float32) * (1.0 / np.sqrt(D_FEAT))
    b_mu = jnp.zeros((LATENT,), dtype=jnp.float32)
    return {"x": x, "reg_edge_index": reg_edge_index, "W_mu": W_mu, "b_mu": b_mu}

def _gcn_conv(x, edge_index, W, b):
    # Faithful PyG GCNConv: add self-loops, symmetric normalization, then
    # out = D^{-1/2} (A + I) D^{-1/2} X W + b
    N = x.shape[0]
    loop = jnp.arange(N, dtype=edge_index.dtype)
    src = jnp.concatenate([edge_index[0], loop])
    dst = jnp.concatenate([edge_index[1], loop])
    ones = jnp.ones(src.shape[0], dtype=x.dtype)
    deg = jnp.zeros((N,), dtype=x.dtype).at[dst].add(ones)
    deg_inv_sqrt = jnp.where(deg > 0, 1.0 / jnp.sqrt(deg), 0.0)
    norm = deg_inv_sqrt[src] * deg_inv_sqrt[dst]
    xw = x @ W  # dense compute: [N, d_feat] @ [d_feat, latent]
    msg = xw[src] * norm[:, None]  # gather over edges
    out = jnp.zeros((N, W.shape[1]), dtype=x.dtype).at[dst].add(msg)  # scatter-add
    return out + b

def reference(x, reg_edge_index, W_mu, b_mu):
    # RegEncoder.forward: z = self.conv_mu(x, reg_edge_index)
    z = _gcn_conv(x, reg_edge_index, W_mu, b_mu)
    return z

if __name__ == "__main__":
    import jax
    _d = setup_inputs()
    print(jax.jit(kernel)(*tuple(_d.values())))

</pallas_src>

<mosaic_0001>
#map = affine_map<(d0, d1) -> (0, 0, 0)>
#map1 = affine_map<(d0, d1) -> (0, 0)>
module attributes {stable_mosaic.version = 14 : i64} {
  func.func @_deg_kernel(%arg0: i32, %arg1: i32, %arg2: memref<32x40x128xi32, #tpu.memory_space<hbm>>, %arg3: memref<32x10240xf32, #tpu.memory_space<hbm>>, %arg4: memref<40x128xi32, #tpu.memory_space<vmem>>, %arg5: memref<10240xf32, #tpu.memory_space<vmem>>) attributes {dimension_semantics = [#tpu.dimension_semantics<core_parallel>, #tpu.dimension_semantics<subcore_parallel>], iteration_bounds = array<i64: 2, 16>, scalar_prefetch = 0 : i64, scratch_operands = 2 : i64, tpu.core_type = #tpu.core_type<sc_vector_subcore>, window_params = [{transform_indices = #map}, {transform_indices = #map1}]} {
    %mul3A = arith.constant 2 : i32
    %mul3A_0 = arith.muli %arg1, %mul3A : i32
    %add3A = arith.addi %mul3A_0, %arg0 : i32
    %scan3A = arith.constant 0 : i32
    %scan3A_1 = arith.constant 640 : i32
    %scan3A_2 = arith.addi %scan3A, %scan3A_1 : i32
    %scan3A_3 = arith.constant 1 : i32
    scf.for %scan3A_11 = %scan3A to %scan3A_2 step %scan3A_3  : i32 {
      %mul3A_12 = arith.constant 1 : i32
      %mul3A_13 = arith.muli %scan3A_11, %mul3A_12 : i32
      %add3A_14 = arith.constant 0 : i32
      %add3A_15 = arith.addi %add3A_14, %mul3A_13 : i32
      %broadcast_in_dim3A_16 = arith.constant 0.000000e+00 : f32
      %broadcast_in_dim3A_17 = vector.broadcast %broadcast_in_dim3A_16 : f32 to vector<16xf32>
      %mul3A_18 = arith.constant 16 : i32
      %mul3A_19 = arith.muli %add3A_15, %mul3A_18 : i32
      %swap3A = arith.index_cast %mul3A_19 : i32 to index
      %swap3A_20 = tpu.vector_load %arg5[%swap3A] {strides = array<i32>} : memref<10240xf32, #tpu.memory_space<vmem>>, vector<16xf32>,
      tpu.vector_store %arg5[%swap3A], %broadcast_in_dim3A_17 {strides = array<i32>} : memref<10240xf32, #tpu.memory_space<vmem>>, vector<16xf32>,
    }
    %scan3A_4 = arith.constant 640 : i32
    "tpu.region"() ({
      %run_scoped3A = tpu.sem_alloc : memref<!tpu.dma_semaphore, #tpu.memory_space<semaphore_mem>>
      %dma_start3A = arith.constant 0 : i32
      %dma_start3A_11 = arith.constant 0 : i32
      %dma_start3A_12 = tpu.memref_slice %arg2[%add3A, %dma_start3A, %dma_start3A_11] : memref<32x40x128xi32, #tpu.memory_space<hbm>> -> memref<1x40x128xi32, #tpu.memory_space<hbm>>
      %dma_start3A_13 = tpu.memref_squeeze %dma_start3A_12 : memref<1x40x128xi32, #tpu.memory_space<hbm>> -> memref<40x128xi32, #tpu.memory_space<hbm>>
      %dma_start3A_14 = arith.constant 0 : i32
      %dma_start3A_15 = arith.constant 0 : i32
      %dma_start3A_16 = tpu.memref_slice %arg2[%add3A, %dma_start3A_14, %dma_start3A_15] : memref<32x40x128xi32, #tpu.memory_space<hbm>> -> memref<1x40x128xi32, #tpu.memory_space<hbm>>
      %dma_start3A_17 = tpu.memref_squeeze %dma_start3A_16 : memref<1x40x128xi32, #tpu.memory_space<hbm>> -> memref<40x128xi32, #tpu.memory_space<hbm>>
      tpu.enqueue_dma source(%dma_start3A_17 : memref<40x128xi32, #tpu.memory_space<hbm>>) target(%arg4 : memref<40x128xi32, #tpu.memory_space<vmem>>) target_semaphore(%run_scoped3A : memref<!tpu.dma_semaphore, #tpu.memory_space<semaphore_mem>>)
      %dma_wait3A = arith.constant 0 : i32
      %dma_wait3A_18 = arith.constant 0 : i32
      %dma_wait3A_19 = tpu.memref_slice %arg2[%add3A, %dma_wait3A, %dma_wait3A_18] : memref<32x40x128xi32, #tpu.memory_space<hbm>> -> memref<1x40x128xi32, #tpu.memory_space<hbm>>
      %dma_wait3A_20 = tpu.memref_squeeze %dma_wait3A_19 : memref<1x40x128xi32, #tpu.memory_space<hbm>> -> memref<40x128xi32, #tpu.memory_space<hbm>>
      %dma_wait3A_21 = arith.constant 0 : i32
      %dma_wait3A_22 = arith.constant 0 : i32
      %dma_wait3A_23 = tpu.memref_slice %arg2[%add3A, %dma_wait3A_21, %dma_wait3A_22] : memref<32x40x128xi32, #tpu.memory_space<hbm>> -> memref<1x40x128xi32, #tpu.memory_space<hbm>>
      %dma_wait3A_24 = tpu.memref_squeeze %dma_wait3A_23 : memref<1x40x128xi32, #tpu.memory_space<hbm>> -> memref<40x128xi32, #tpu.memory_space<hbm>>
      tpu.wait_dma2 semaphore(%run_scoped3A : memref<!tpu.dma_semaphore, #tpu.memory_space<semaphore_mem>>) src(%dma_wait3A_24 : memref<40x128xi32, #tpu.memory_space<hbm>>) dst(%arg4 : memref<40x128xi32, #tpu.memory_space<vmem>>)
      tpu.yield
    }) : () -> ()
    %broadcast_in_dim3A = arith.constant 1.000000e+00 : f32
    %broadcast_in_dim3A_5 = vector.broadcast %broadcast_in_dim3A : f32 to vector<16xf32>
    %scan3A_6 = arith.constant 0 : i32
    %scan3A_7 = arith.constant 40 : i32
    %scan3A_8 = arith.addi %scan3A_6, %scan3A_7 : i32
    %scan3A_9 = arith.constant 1 : i32
    scf.for %scan3A_11 = %scan3A_6 to %scan3A_8 step %scan3A_9  : i32 {
      %mul3A_12 = arith.constant 1 : i32
      %mul3A_13 = arith.muli %scan3A_11, %mul3A_12 : i32
      %add3A_14 = arith.constant 0 : i32
      %add3A_15 = arith.addi %add3A_14, %mul3A_13 : i32
      %scan3A_16 = arith.constant 0 : i32
      %scan3A_17 = arith.constant 8 : i32
      %scan3A_18 = arith.addi %scan3A_16, %scan3A_17 : i32
      %scan3A_19 = arith.constant 1 : i32
      scf.for %scan3A_21 = %scan3A_16 to %scan3A_18 step %scan3A_19  : i32 {
        %mul3A_22 = arith.constant 1 : i32
        %mul3A_23 = arith.muli %scan3A_21, %mul3A_22 : i32
        %add3A_24 = arith.constant 0 : i32
        %add3A_25 = arith.addi %add3A_24, %mul3A_23 : i32
        %mul3A_26 = arith.constant 16 : i32
        %mul3A_27 = arith.muli %add3A_25, %mul3A_26 : i32
        %get3A = arith.index_cast %add3A_15 : i32 to index
        %get3A_28 = arith.index_cast %mul3A_27 : i32 to index
        %get3A_29 = tpu.vector_load %arg4[%get3A, %get3A_28] {strides = array<i32>} : memref<40x128xi32, #tpu.memory_space<vmem>>, vector<16xi32>,
        tpu.vector_store_idx %arg5[%get3A_29], %broadcast_in_dim3A_5 {add = true} : memref<10240xf32, #tpu.memory_space<vmem>>[vector<16xi32>], vector<16xf32>,
      }
      %scan3A_20 = arith.constant 8 : i32
    }
    %scan3A_10 = arith.constant 40 : i32
    "tpu.region"() ({
      %run_scoped3A = tpu.sem_alloc : memref<!tpu.dma_semaphore, #tpu.memory_space<semaphore_mem>>
      %dma_start3A = arith.constant 0 : i32
      %dma_start3A_11 = tpu.memref_slice %arg3[%add3A, %dma_start3A] : memref<32x10240xf32, #tpu.memory_space<hbm>> -> memref<1x10240xf32, #tpu.memory_space<hbm>>
      %dma_start3A_12 = tpu.memref_squeeze %dma_start3A_11 : memref<1x10240xf32, #tpu.memory_space<hbm>> -> memref<10240xf32, #tpu.memory_space<hbm>>
      %dma_start3A_13 = arith.constant 0 : i32
      %dma_start3A_14 = tpu.memref_slice %arg3[%add3A, %dma_start3A_13] : memref<32x10240xf32, #tpu.memory_space<hbm>> -> memref<1x10240xf32, #tpu.memory_space<hbm>>
      %dma_start3A_15 = tpu.memref_squeeze %dma_start3A_14 : memref<1x10240xf32, #tpu.memory_space<hbm>> -> memref<10240xf32, #tpu.memory_space<hbm>>
      tpu.enqueue_dma source(%arg5 : memref<10240xf32, #tpu.memory_space<vmem>>) target(%dma_start3A_15 : memref<10240xf32, #tpu.memory_space<hbm>>) target_semaphore(%run_scoped3A : memref<!tpu.dma_semaphore, #tpu.memory_space<semaphore_mem>>)
      %dma_wait3A = arith.constant 0 : i32
      %dma_wait3A_16 = tpu.memref_slice %arg3[%add3A, %dma_wait3A] : memref<32x10240xf32, #tpu.memory_space<hbm>> -> memref<1x10240xf32, #tpu.memory_space<hbm>>
      %dma_wait3A_17 = tpu.memref_squeeze %dma_wait3A_16 : memref<1x10240xf32, #tpu.memory_space<hbm>> -> memref<10240xf32, #tpu.memory_space<hbm>>
      %dma_wait3A_18 = arith.constant 0 : i32
      %dma_wait3A_19 = tpu.memref_slice %arg3[%add3A, %dma_wait3A_18] : memref<32x10240xf32, #tpu.memory_space<hbm>> -> memref<1x10240xf32, #tpu.memory_space<hbm>>
      %dma_wait3A_20 = tpu.memref_squeeze %dma_wait3A_19 : memref<1x10240xf32, #tpu.memory_space<hbm>> -> memref<10240xf32, #tpu.memory_space<hbm>>
      tpu.wait_dma2 semaphore(%run_scoped3A : memref<!tpu.dma_semaphore, #tpu.memory_space<semaphore_mem>>) src(%arg5 : memref<10240xf32, #tpu.memory_space<vmem>>) dst(%dma_wait3A_20 : memref<10240xf32, #tpu.memory_space<hbm>>)
      tpu.yield
    }) : () -> ()
    return
  }
}

#map = affine_map<(d0, d1) -> (0, 0, 0)>
module attributes {stable_mosaic.version = 14 : i64} {
  func.func @_agg_kernel(%arg0: i32, %arg1: i32, %arg2: memref<2x10240x128xbf16, #tpu.memory_space<hbm>>, %arg3: memref<16x128x80xi32, #tpu.memory_space<hbm>>, %arg4: memref<16x128x80xi32, #tpu.memory_space<hbm>>, %arg5: memref<2x10240x128xbf16, #tpu.memory_space<hbm>>, %arg6: memref<128x80xi32, #tpu.memory_space<vmem>>, %arg7: memref<128x80xi32, #tpu.memory_space<vmem>>, %arg8: memref<80x128xbf16, #tpu.memory_space<vmem>>, %arg9: memref<80x128xbf16, #tpu.memory_space<vmem>>, %arg10: memref<80x128xbf16, #tpu.memory_space<vmem>>, %arg11: memref<80x128xbf16, #tpu.memory_space<vmem>>, %arg12: memref<!tpu.dma_semaphore, #tpu.memory_space<semaphore_mem>>, %arg13: memref<!tpu.dma_semaphore, #tpu.memory_space<semaphore_mem>>, %arg14: memref<!tpu.dma_semaphore, #tpu.memory_space<semaphore_mem>>, %arg15: memref<!tpu.dma_semaphore, #tpu.memory_space<semaphore_mem>>, %arg16: memref<!tpu.dma_semaphore, #tpu.memory_space<semaphore_mem>>, %arg17: memref<!tpu.dma_semaphore, #tpu.memory_space<semaphore_mem>>, %arg18: memref<!tpu.dma_semaphore, #tpu.memory_space<semaphore_mem>>, %arg19: memref<!tpu.dma_semaphore, #tpu.memory_space<semaphore_mem>>, %arg20: memref<10240x128xbf16, #tpu.memory_space<vmem_shared>>, %arg21: memref<10240x128xbf16, #tpu.memory_space<vmem_shared>>) attributes {dimension_semantics = [#tpu.dimension_semantics<core_parallel>, #tpu.dimension_semantics<subcore_parallel>], iteration_bounds = array<i64: 2, 16>, scalar_prefetch = 0 : i64, scratch_operands = 16 : i64, tpu.core_type = #tpu.core_type<sc_vector_subcore>, window_params = [{transform_indices = #map}, {transform_indices = #map}, {transform_indices = #map}, {transform_indices = #map}]} {
    "tpu.region"() ({
      %run_scoped3A = tpu.sem_alloc : memref<!tpu.dma_semaphore, #tpu.memory_space<semaphore_mem>>
      %dma_start3A_57 = arith.constant 0 : i32
      %dma_start3A_58 = arith.constant 0 : i32
      %dma_start3A_59 = tpu.memref_slice %arg3[%arg1, %dma_start3A_57, %dma_start3A_58] : memref<16x128x80xi32, #tpu.memory_space<hbm>> -> memref<1x128x80xi32, #tpu.memory_space<hbm>>
      %dma_start3A_60 = tpu.memref_squeeze %dma_start3A_59 : memref<1x128x80xi32, #tpu.memory_space<hbm>> -> memref<128x80xi32, #tpu.memory_space<hbm>>
      %dma_start3A_61 = arith.constant 0 : i32
      %dma_start3A_62 = arith.constant 0 : i32
      %dma_start3A_63 = tpu.memref_slice %arg3[%arg1, %dma_start3A_61, %dma_start3A_62] : memref<16x128x80xi32, #tpu.memory_space<hbm>> -> memref<1x128x80xi32, #tpu.memory_space<hbm>>
      %dma_start3A_64 = tpu.memref_squeeze %dma_start3A_63 : memref<1x128x80xi32, #tpu.memory_space<hbm>> -> memref<128x80xi32, #tpu.memory_space<hbm>>
      tpu.enqueue_dma source(%dma_start3A_64 : memref<128x80xi32, #tpu.memory_space<hbm>>) target(%arg6 : memref<128x80xi32, #tpu.memory_space<vmem>>) target_semaphore(%run_scoped3A : memref<!tpu.dma_semaphore, #tpu.memory_space<semaphore_mem>>)
      %dma_wait3A_65 = arith.constant 0 : i32
      %dma_wait3A_66 = arith.constant 0 : i32
      %dma_wait3A_67 = tpu.memref_slice %arg3[%arg1, %dma_wait3A_65, %dma_wait3A_66] : memref<16x128x80xi32, #tpu.memory_space<hbm>> -> memref<1x128x80xi32, #tpu.memory_space<hbm>>
      %dma_wait3A_68 = tpu.memref_squeeze %dma_wait3A_67 : memref<1x128x80xi32, #tpu.memory_space<hbm>> -> memref<128x80xi32, #tpu.memory_space<hbm>>
      %dma_wait3A_69 = arith.constant 0 : i32
      %dma_wait3A_70 = arith.constant 0 : i32
      %dma_wait3A_71 = tpu.memref_slice %arg3[%arg1, %dma_wait3A_69, %dma_wait3A_70] : memref<16x128x80xi32, #tpu.memory_space<hbm>> -> memref<1x128x80xi32, #tpu.memory_space<hbm>>
      %dma_wait3A_72 = tpu.memref_squeeze %dma_wait3A_71 : memref<1x128x80xi32, #tpu.memory_space<hbm>> -> memref<128x80xi32, #tpu.memory_space<hbm>>
      tpu.wait_dma2 semaphore(%run_scoped3A : memref<!tpu.dma_semaphore, #tpu.memory_space<semaphore_mem>>) src(%dma_wait3A_72 : memref<128x80xi32, #tpu.memory_space<hbm>>) dst(%arg6 : memref<128x80xi32, #tpu.memory_space<vmem>>)
      tpu.yield
    }) : () -> ()
    "tpu.region"() ({
      %run_scoped3A = tpu.sem_alloc : memref<!tpu.dma_semaphore, #tpu.memory_space<semaphore_mem>>
      %dma_start3A_57 = arith.constant 0 : i32
      %dma_start3A_58 = arith.constant 0 : i32
      %dma_start3A_59 = tpu.memref_slice %arg4[%arg1, %dma_start3A_57, %dma_start3A_58] : memref<16x128x80xi32, #tpu.memory_space<hbm>> -> memref<1x128x80xi32, #tpu.memory_space<hbm>>
      %dma_start3A_60 = tpu.memref_squeeze %dma_start3A_59 : memref<1x128x80xi32, #tpu.memory_space<hbm>> -> memref<128x80xi32, #tpu.memory_space<hbm>>
      %dma_start3A_61 = arith.constant 0 : i32
      %dma_start3A_62 = arith.constant 0 : i32
      %dma_start3A_63 = tpu.memref_slice %arg4[%arg1, %dma_start3A_61, %dma_start3A_62] : memref<16x128x80xi32, #tpu.memory_space<hbm>> -> memref<1x128x80xi32, #tpu.memory_space<hbm>>
      %dma_start3A_64 = tpu.memref_squeeze %dma_start3A_63 : memref<1x128x80xi32, #tpu.memory_space<hbm>> -> memref<128x80xi32, #tpu.memory_space<hbm>>
      tpu.enqueue_dma source(%dma_start3A_64 : memref<128x80xi32, #tpu.memory_space<hbm>>) target(%arg7 : memref<128x80xi32, #tpu.memory_space<vmem>>) target_semaphore(%run_scoped3A : memref<!tpu.dma_semaphore, #tpu.memory_space<semaphore_mem>>)
      %dma_wait3A_65 = arith.constant 0 : i32
      %dma_wait3A_66 = arith.constant 0 : i32
      %dma_wait3A_67 = tpu.memref_slice %arg4[%arg1, %dma_wait3A_65, %dma_wait3A_66] : memref<16x128x80xi32, #tpu.memory_space<hbm>> -> memref<1x128x80xi32, #tpu.memory_space<hbm>>
      %dma_wait3A_68 = tpu.memref_squeeze %dma_wait3A_67 : memref<1x128x80xi32, #tpu.memory_space<hbm>> -> memref<128x80xi32, #tpu.memory_space<hbm>>
      %dma_wait3A_69 = arith.constant 0 : i32
      %dma_wait3A_70 = arith.constant 0 : i32
      %dma_wait3A_71 = tpu.memref_slice %arg4[%arg1, %dma_wait3A_69, %dma_wait3A_70] : memref<16x128x80xi32, #tpu.memory_space<hbm>> -> memref<1x128x80xi32, #tpu.memory_space<hbm>>
      %dma_wait3A_72 = tpu.memref_squeeze %dma_wait3A_71 : memref<1x128x80xi32, #tpu.memory_space<hbm>> -> memref<128x80xi32, #tpu.memory_space<hbm>>
      tpu.wait_dma2 semaphore(%run_scoped3A : memref<!tpu.dma_semaphore, #tpu.memory_space<semaphore_mem>>) src(%dma_wait3A_72 : memref<128x80xi32, #tpu.memory_space<hbm>>) dst(%arg7 : memref<128x80xi32, #tpu.memory_space<vmem>>)
      tpu.yield
    }) : () -> ()
    %mul3A = arith.constant 640 : i32
    %mul3A_0 = arith.muli %arg1, %mul3A : i32
    %mul3A_1 = arith.constant 640 : i32
    %mul3A_2 = arith.muli %arg1, %mul3A_1 : i32
    "tpu.region"() ({
      %run_scoped3A = tpu.sem_alloc : memref<!tpu.dma_semaphore, #tpu.memory_space<semaphore_mem>>
      %dma_start3A_57 = arith.constant 0 : i32
      %dma_start3A_58 = tpu.memref_slice %arg20[%mul3A_2, %dma_start3A_57] : memref<10240x128xbf16, #tpu.memory_space<vmem_shared>> -> memref<640x128xbf16, #tpu.memory_space<vmem_shared>>
      %dma_start3A_59 = arith.constant 0 : i32
      %dma_start3A_60 = tpu.memref_slice %arg2[%arg0, %mul3A_0, %dma_start3A_59] : memref<2x10240x128xbf16, #tpu.memory_space<hbm>> -> memref<1x640x128xbf16, #tpu.memory_space<hbm>>
      %dma_start3A_61 = tpu.memref_squeeze %dma_start3A_60 : memref<1x640x128xbf16, #tpu.memory_space<hbm>> -> memref<640x128xbf16, #tpu.memory_space<hbm>>
      tpu.enqueue_dma source(%dma_start3A_61 : memref<640x128xbf16, #tpu.memory_space<hbm>>) target(%dma_start3A_58 : memref<640x128xbf16, #tpu.memory_space<vmem_shared>>) target_semaphore(%run_scoped3A : memref<!tpu.dma_semaphore, #tpu.memory_space<semaphore_mem>>)
      %dma_wait3A_62 = arith.constant 0 : i32
      %dma_wait3A_63 = tpu.memref_slice %arg20[%mul3A_2, %dma_wait3A_62] : memref<10240x128xbf16, #tpu.memory_space<vmem_shared>> -> memref<640x128xbf16, #tpu.memory_space<vmem_shared>>
      %dma_wait3A_64 = arith.constant 0 : i32
      %dma_wait3A_65 = tpu.memref_slice %arg2[%arg0, %mul3A_0, %dma_wait3A_64] : memref<2x10240x128xbf16, #tpu.memory_space<hbm>> -> memref<1x640x128xbf16, #tpu.memory_space<hbm>>
      %dma_wait3A_66 = tpu.memref_squeeze %dma_wait3A_65 : memref<1x640x128xbf16, #tpu.memory_space<hbm>> -> memref<640x128xbf16, #tpu.memory_space<hbm>>
      tpu.wait_dma2 semaphore(%run_scoped3A : memref<!tpu.dma_semaphore, #tpu.memory_space<semaphore_mem>>) src(%dma_wait3A_66 : memref<640x128xbf16, #tpu.memory_space<hbm>>) dst(%dma_wait3A_63 : memref<640x128xbf16, #tpu.memory_space<vmem_shared>>)
      tpu.yield
    }) : () -> ()
    %mul3A_3 = arith.constant 640 : i32
    %mul3A_4 = arith.muli %arg1, %mul3A_3 : i32
    %mul3A_5 = arith.constant 640 : i32
    %mul3A_6 = arith.muli %arg1, %mul3A_5 : i32
    "tpu.region"() ({
      %run_scoped3A = tpu.sem_alloc : memref<!tpu.dma_semaphore, #tpu.memory_space<semaphore_mem>>
      %dma_start3A_57 = arith.constant 0 : i32
      %dma_start3A_58 = tpu.memref_slice %arg21[%mul3A_6, %dma_start3A_57] : memref<10240x128xbf16, #tpu.memory_space<vmem_shared>> -> memref<640x128xbf16, #tpu.memory_space<vmem_shared>>
      %dma_start3A_59 = arith.constant 0 : i32
      %dma_start3A_60 = tpu.memref_slice %arg2[%arg0, %mul3A_4, %dma_start3A_59] : memref<2x10240x128xbf16, #tpu.memory_space<hbm>> -> memref<1x640x128xbf16, #tpu.memory_space<hbm>>
      %dma_start3A_61 = tpu.memref_squeeze %dma_start3A_60 : memref<1x640x128xbf16, #tpu.memory_space<hbm>> -> memref<640x128xbf16, #tpu.memory_space<hbm>>
      tpu.enqueue_dma source(%dma_start3A_61 : memref<640x128xbf16, #tpu.memory_space<hbm>>) target(%dma_start3A_58 : memref<640x128xbf16, #tpu.memory_space<vmem_shared>>) target_semaphore(%run_scoped3A : memref<!tpu.dma_semaphore, #tpu.memory_space<semaphore_mem>>)
      %dma_wait3A_62 = arith.constant 0 : i32
      %dma_wait3A_63 = tpu.memref_slice %arg21[%mul3A_6, %dma_wait3A_62] : memref<10240x128xbf16, #tpu.memory_space<vmem_shared>> -> memref<640x128xbf16, #tpu.memory_space<vmem_shared>>
      %dma_wait3A_64 = arith.constant 0 : i32
      %dma_wait3A_65 = tpu.memref_slice %arg2[%arg0, %mul3A_4, %dma_wait3A_64] : memref<2x10240x128xbf16, #tpu.memory_space<hbm>> -> memref<1x640x128xbf16, #tpu.memory_space<hbm>>
      %dma_wait3A_66 = tpu.memref_squeeze %dma_wait3A_65 : memref<1x640x128xbf16, #tpu.memory_space<hbm>> -> memref<640x128xbf16, #tpu.memory_space<hbm>>
      tpu.wait_dma2 semaphore(%run_scoped3A : memref<!tpu.dma_semaphore, #tpu.memory_space<semaphore_mem>>) src(%dma_wait3A_66 : memref<640x128xbf16, #tpu.memory_space<hbm>>) dst(%dma_wait3A_63 : memref<640x128xbf16, #tpu.memory_space<vmem_shared>>)
      tpu.yield
    }) : () -> ()
    %barrier3A = arith.constant 0 : index
    tpu.barrier barrier_id(%barrier3A)
    %dma_start3A = arith.constant 0 : i32
    %dma_start3A_7 = arith.constant 0 : i32
    %dma_start3A_8 = tpu.memref_slice %arg6[%dma_start3A, %dma_start3A_7] : memref<128x80xi32, #tpu.memory_space<vmem>> -> memref<1x80xi32, #tpu.memory_space<vmem>>
    %dma_start3A_9 = tpu.memref_squeeze %dma_start3A_8 : memref<1x80xi32, #tpu.memory_space<vmem>> -> memref<80xi32, #tpu.memory_space<vmem>>
    %dma_start3A_10 = arith.constant 0 : i32
    %dma_start3A_11 = arith.constant 0 : i32
    %dma_start3A_12 = tpu.memref_slice %arg20[%dma_start3A_10, %dma_start3A_11] : memref<10240x128xbf16, #tpu.memory_space<vmem_shared>> -> memref<10240x128xbf16, #tpu.memory_space<vmem_shared>>
    tpu.enqueue_indirect_dma source(%dma_start3A_12 : memref<10240x128xbf16, #tpu.memory_space<vmem_shared>>) target(%arg8 : memref<80x128xbf16, #tpu.memory_space<vmem>>) offsets(%dma_start3A_9 : memref<80xi32, #tpu.memory_space<vmem>>) semaphore(%arg12 : memref<!tpu.dma_semaphore, #tpu.memory_space<semaphore_mem>>)
    %dma_start3A_13 = arith.constant 1 : i32
    %dma_start3A_14 = arith.constant 0 : i32
    %dma_start3A_15 = tpu.memref_slice %arg6[%dma_start3A_13, %dma_start3A_14] : memref<128x80xi32, #tpu.memory_space<vmem>> -> memref<1x80xi32, #tpu.memory_space<vmem>>
    %dma_start3A_16 = tpu.memref_squeeze %dma_start3A_15 : memref<1x80xi32, #tpu.memory_space<vmem>> -> memref<80xi32, #tpu.memory_space<vmem>>
    %dma_start3A_17 = arith.constant 0 : i32
    %dma_start3A_18 = arith.constant 0 : i32
    %dma_start3A_19 = tpu.memref_slice %arg20[%dma_start3A_17, %dma_start3A_18] : memref<10240x128xbf16, #tpu.memory_space<vmem_shared>> -> memref<10240x128xbf16, #tpu.memory_space<vmem_shared>>
    tpu.enqueue_indirect_dma source(%dma_start3A_19 : memref<10240x128xbf16, #tpu.memory_space<vmem_shared>>) target(%arg9 : memref<80x128xbf16, #tpu.memory_space<vmem>>) offsets(%dma_start3A_16 : memref<80xi32, #tpu.memory_space<vmem>>) semaphore(%arg13 : memref<!tpu.dma_semaphore, #tpu.memory_space<semaphore_mem>>)
    %scan3A = arith.constant 0 : i32
    %scan3A_20 = arith.constant 32 : i32
    %scan3A_21 = arith.addi %scan3A, %scan3A_20 : i32
    %scan3A_22 = arith.constant 1 : i32
    scf.for %scan3A_57 = %scan3A to %scan3A_21 step %scan3A_22  : i32 {
      %mul3A_58 = arith.constant 4 : i32
      %mul3A_59 = arith.muli %scan3A_57, %mul3A_58 : i32
      %add3A = arith.constant 0 : i32
      %add3A_60 = arith.addi %add3A, %mul3A_59 : i32
      %add3A_61 = arith.constant 0 : i32
      %add3A_62 = arith.addi %add3A_60, %add3A_61 : i32
      %add3A_63 = arith.constant 2 : i32
      %add3A_64 = arith.addi %add3A_62, %add3A_63 : i32
      %lt3A = arith.constant 128 : i32
      %lt3A_65 = arith.cmpi slt, %add3A_64, %lt3A : i32
      %convert_element_type3A = arith.extui %lt3A_65 : i1 to i32
      %cond3A = arith.constant 0 : i32
      %cond3A_66 = arith.cmpi ne, %convert_element_type3A, %cond3A : i32
      scf.if %cond3A_66 {
        %ge3A = arith.constant 2 : i32
        %ge3A_142 = arith.cmpi sge, %add3A_62, %ge3A : i32
        %convert_element_type3A_143 = arith.extui %ge3A_142 : i1 to i32
        %cond3A_144 = arith.constant 0 : i32
        %cond3A_145 = arith.cmpi ne, %convert_element_type3A_143, %cond3A_144 : i32
        scf.if %cond3A_145 {
          %sub3A = arith.constant 2 : i32
          %sub3A_154 = arith.subi %add3A_62, %sub3A : i32
          %dma_wait3A_155 = arith.constant 0 : i32
          %dma_wait3A_156 = tpu.memref_slice %arg7[%sub3A_154, %dma_wait3A_155] : memref<128x80xi32, #tpu.memory_space<vmem>> -> memref<1x80xi32, #tpu.memory_space<vmem>>
          %dma_wait3A_157 = tpu.memref_squeeze %dma_wait3A_156 : memref<1x80xi32, #tpu.memory_space<vmem>> -> memref<80xi32, #tpu.memory_space<vmem>>
          %dma_wait3A_158 = arith.constant 0 : i32
          %dma_wait3A_159 = arith.constant 0 : i32
          %dma_wait3A_160 = tpu.memref_slice %arg21[%dma_wait3A_158, %dma_wait3A_159] : memref<10240x128xbf16, #tpu.memory_space<vmem_shared>> -> memref<10240x128xbf16, #tpu.memory_space<vmem_shared>>
          tpu.wait_indirect_dma semaphore(%arg18 : memref<!tpu.dma_semaphore, #tpu.memory_space<semaphore_mem>>) src(%arg10 : memref<80x128xbf16, #tpu.memory_space<vmem>>) dst(%dma_wait3A_160 : memref<10240x128xbf16, #tpu.memory_space<vmem_shared>>)
        } else {
        }
        %add3A_146 = arith.constant 2 : i32
        %add3A_147 = arith.addi %add3A_62, %add3A_146 : i32
        %dma_start3A_148 = arith.constant 0 : i32
        %dma_start3A_149 = tpu.memref_slice %arg6[%add3A_147, %dma_start3A_148] : memref<128x80xi32, #tpu.memory_space<vmem>> -> memref<1x80xi32, #tpu.memory_space<vmem>>
        %dma_start3A_150 = tpu.memref_squeeze %dma_start3A_149 : memref<1x80xi32, #tpu.memory_space<vmem>> -> memref<80xi32, #tpu.memory_space<vmem>>
        %dma_start3A_151 = arith.constant 0 : i32
        %dma_start3A_152 = arith.constant 0 : i32
        %dma_start3A_153 = tpu.memref_slice %arg20[%dma_start3A_151, %dma_start3A_152] : memref<10240x128xbf16, #tpu.memory_space<vmem_shared>> -> memref<10240x128xbf16, #tpu.memory_space<vmem_shared>>
        tpu.enqueue_indirect_dma source(%dma_start3A_153 : memref<10240x128xbf16, #tpu.memory_space<vmem_shared>>) target(%arg10 : memref<80x128xbf16, #tpu.memory_space<vmem>>) offsets(%dma_start3A_150 : memref<80xi32, #tpu.memory_space<vmem>>) semaphore(%arg14 : memref<!tpu.dma_semaphore, #tpu.memory_space<semaphore_mem>>)
      } else {
      }
      %dma_wait3A_67 = arith.constant 0 : i32
      %dma_wait3A_68 = tpu.memref_slice %arg6[%add3A_62, %dma_wait3A_67] : memref<128x80xi32, #tpu.memory_space<vmem>> -> memref<1x80xi32, #tpu.memory_space<vmem>>
      %dma_wait3A_69 = tpu.memref_squeeze %dma_wait3A_68 : memref<1x80xi32, #tpu.memory_space<vmem>> -> memref<80xi32, #tpu.memory_space<vmem>>
      %dma_wait3A_70 = arith.constant 0 : i32
      %dma_wait3A_71 = arith.constant 0 : i32
      %dma_wait3A_72 = tpu.memref_slice %arg20[%dma_wait3A_70, %dma_wait3A_71] : memref<10240x128xbf16, #tpu.memory_space<vmem_shared>> -> memref<10240x128xbf16, #tpu.memory_space<vmem_shared>>
      tpu.wait_indirect_dma semaphore(%arg12 : memref<!tpu.dma_semaphore, #tpu.memory_space<semaphore_mem>>) src(%dma_wait3A_72 : memref<10240x128xbf16, #tpu.memory_space<vmem_shared>>) dst(%arg8 : memref<80x128xbf16, #tpu.memory_space<vmem>>)
      %dma_start3A_73 = arith.constant 0 : i32
      %dma_start3A_74 = tpu.memref_slice %arg7[%add3A_62, %dma_start3A_73] : memref<128x80xi32, #tpu.memory_space<vmem>> -> memref<1x80xi32, #tpu.memory_space<vmem>>
      %dma_start3A_75 = tpu.memref_squeeze %dma_start3A_74 : memref<1x80xi32, #tpu.memory_space<vmem>> -> memref<80xi32, #tpu.memory_space<vmem>>
      %dma_start3A_76 = arith.constant 0 : i32
      %dma_start3A_77 = arith.constant 0 : i32
      %dma_start3A_78 = tpu.memref_slice %arg21[%dma_start3A_76, %dma_start3A_77] : memref<10240x128xbf16, #tpu.memory_space<vmem_shared>> -> memref<10240x128xbf16, #tpu.memory_space<vmem_shared>>
      tpu.enqueue_indirect_dma source(%arg8 : memref<80x128xbf16, #tpu.memory_space<vmem>>) target(%dma_start3A_78 : memref<10240x128xbf16, #tpu.memory_space<vmem_shared>>) offsets(%dma_start3A_75 : memref<80xi32, #tpu.memory_space<vmem>>) semaphore(%arg16 : memref<!tpu.dma_semaphore, #tpu.memory_space<semaphore_mem>>) {add = true}
      %add3A_79 = arith.constant 1 : i32
      %add3A_80 = arith.addi %add3A_60, %add3A_79 : i32
      %add3A_81 = arith.constant 2 : i32
      %add3A_82 = arith.addi %add3A_80, %add3A_81 : i32
      %lt3A_83 = arith.constant 128 : i32
      %lt3A_84 = arith.cmpi slt, %add3A_82, %lt3A_83 : i32
      %convert_element_type3A_85 = arith.extui %lt3A_84 : i1 to i32
      %cond3A_86 = arith.constant 0 : i32
      %cond3A_87 = arith.cmpi ne, %convert_element_type3A_85, %cond3A_86 : i32
      scf.if %cond3A_87 {
        %ge3A = arith.constant 2 : i32
        %ge3A_142 = arith.cmpi sge, %add3A_80, %ge3A : i32
        %convert_element_type3A_143 = arith.extui %ge3A_142 : i1 to i32
        %cond3A_144 = arith.constant 0 : i32
        %cond3A_145 = arith.cmpi ne, %convert_element_type3A_143, %cond3A_144 : i32
        scf.if %cond3A_145 {
          %sub3A = arith.constant 2 : i32
          %sub3A_154 = arith.subi %add3A_80, %sub3A : i32
          %dma_wait3A_155 = arith.constant 0 : i32
          %dma_wait3A_156 = tpu.memref_slice %arg7[%sub3A_154, %dma_wait3A_155] : memref<128x80xi32, #tpu.memory_space<vmem>> -> memref<1x80xi32, #tpu.memory_space<vmem>>
          %dma_wait3A_157 = tpu.memref_squeeze %dma_wait3A_156 : memref<1x80xi32, #tpu.memory_space<vmem>> -> memref<80xi32, #tpu.memory_space<vmem>>
          %dma_wait3A_158 = arith.constant 0 : i32
          %dma_wait3A_159 = arith.constant 0 : i32
          %dma_wait3A_160 = tpu.memref_slice %arg21[%dma_wait3A_158, %dma_wait3A_159] : memref<10240x128xbf16, #tpu.memory_space<vmem_shared>> -> memref<10240x128xbf16, #tpu.memory_space<vmem_shared>>
          tpu.wait_indirect_dma semaphore(%arg19 : memref<!tpu.dma_semaphore, #tpu.memory_space<semaphore_mem>>) src(%arg11 : memref<80x128xbf16, #tpu.memory_space<vmem>>) dst(%dma_wait3A_160 : memref<10240x128xbf16, #tpu.memory_space<vmem_shared>>)
        } else {
        }
        %add3A_146 = arith.constant 2 : i32
        %add3A_147 = arith.addi %add3A_80, %add3A_146 : i32
        %dma_start3A_148 = arith.constant 0 : i32
        %dma_start3A_149 = tpu.memref_slice %arg6[%add3A_147, %dma_start3A_148] : memref<128x80xi32, #tpu.memory_space<vmem>> -> memref<1x80xi32, #tpu.memory_space<vmem>>
        %dma_start3A_150 = tpu.memref_squeeze %dma_start3A_149 : memref<1x80xi32, #tpu.memory_space<vmem>> -> memref<80xi32, #tpu.memory_space<vmem>>
        %dma_start3A_151 = arith.constant 0 : i32
        %dma_start3A_152 = arith.constant 0 : i32
        %dma_start3A_153 = tpu.memref_slice %arg20[%dma_start3A_151, %dma_start3A_152] : memref<10240x128xbf16, #tpu.memory_space<vmem_shared>> -> memref<10240x128xbf16, #tpu.memory_space<vmem_shared>>
        tpu.enqueue_indirect_dma source(%dma_start3A_153 : memref<10240x128xbf16, #tpu.memory_space<vmem_shared>>) target(%arg11 : memref<80x128xbf16, #tpu.memory_space<vmem>>) offsets(%dma_start3A_150 : memref<80xi32, #tpu.memory_space<vmem>>) semaphore(%arg15 : memref<!tpu.dma_semaphore, #tpu.memory_space<semaphore_mem>>)
      } else {
      }
      %dma_wait3A_88 = arith.constant 0 : i32
      %dma_wait3A_89 = tpu.memref_slice %arg6[%add3A_80, %dma_wait3A_88] : memref<128x80xi32, #tpu.memory_space<vmem>> -> memref<1x80xi32, #tpu.memory_space<vmem>>
      %dma_wait3A_90 = tpu.memref_squeeze %dma_wait3A_89 : memref<1x80xi32, #tpu.memory_space<vmem>> -> memref<80xi32, #tpu.memory_space<vmem>>
      %dma_wait3A_91 = arith.constant 0 : i32
      %dma_wait3A_92 = arith.constant 0 : i32
      %dma_wait3A_93 = tpu.memref_slice %arg20[%dma_wait3A_91, %dma_wait3A_92] : memref<10240x128xbf16, #tpu.memory_space<vmem_shared>> -> memref<10240x128xbf16, #tpu.memory_space<vmem_shared>>
      tpu.wait_indirect_dma semaphore(%arg13 : memref<!tpu.dma_semaphore, #tpu.memory_space<semaphore_mem>>) src(%dma_wait3A_93 : memref<10240x128xbf16, #tpu.memory_space<vmem_shared>>) dst(%arg9 : memref<80x128xbf16, #tpu.memory_space<vmem>>)
      %dma_start3A_94 = arith.constant 0 : i32
      %dma_start3A_95 = tpu.memref_slice %arg7[%add3A_80, %dma_start3A_94] : memref<128x80xi32, #tpu.memory_space<vmem>> -> memref<1x80xi32, #tpu.memory_space<vmem>>
      %dma_start3A_96 = tpu.memref_squeeze %dma_start3A_95 : memref<1x80xi32, #tpu.memory_space<vmem>> -> memref<80xi32, #tpu.memory_space<vmem>>
      %dma_start3A_97 = arith.constant 0 : i32
      %dma_start3A_98 = arith.constant 0 : i32
      %dma_start3A_99 = tpu.memref_slice %arg21[%dma_start3A_97, %dma_start3A_98] : memref<10240x128xbf16, #tpu.memory_space<vmem_shared>> -> memref<10240x128xbf16, #tpu.memory_space<vmem_shared>>
      tpu.enqueue_indirect_dma source(%arg9 : memref<80x128xbf16, #tpu.memory_space<vmem>>) target(%dma_start3A_99 : memref<10240x128xbf16, #tpu.memory_space<vmem_shared>>) offsets(%dma_start3A_96 : memref<80xi32, #tpu.memory_space<vmem>>) semaphore(%arg17 : memref<!tpu.dma_semaphore, #tpu.memory_space<semaphore_mem>>) {add = true}
      %add3A_100 = arith.constant 2 : i32
      %add3A_101 = arith.addi %add3A_60, %add3A_100 : i32
      %add3A_102 = arith.constant 2 : i32
      %add3A_103 = arith.addi %add3A_101, %add3A_102 : i32
      %lt3A_104 = arith.constant 128 : i32
      %lt3A_105 = arith.cmpi slt, %add3A_103, %lt3A_104 : i32
      %convert_element_type3A_106 = arith.extui %lt3A_105 : i1 to i32
      %cond3A_107 = arith.constant 0 : i32
      %cond3A_108 = arith.cmpi ne, %convert_element_type3A_106, %cond3A_107 : i32
      scf.if %cond3A_108 {
        %ge3A = arith.constant 2 : i32
        %ge3A_142 = arith.cmpi sge, %add3A_101, %ge3A : i32
        %convert_element_type3A_143 = arith.extui %ge3A_142 : i1 to i32
        %cond3A_144 = arith.constant 0 : i32
        %cond3A_145 = arith.cmpi ne, %convert_element_type3A_143, %cond3A_144 : i32
        scf.if %cond3A_145 {
          %sub3A = arith.constant 2 : i32
          %sub3A_154 = arith.subi %add3A_101, %sub3A : i32
          %dma_wait3A_155 = arith.constant 0 : i32
          %dma_wait3A_156 = tpu.memref_slice %arg7[%sub3A_154, %dma_wait3A_155] : memref<128x80xi32, #tpu.memory_space<vmem>> -> memref<1x80xi32, #tpu.memory_space<vmem>>
          %dma_wait3A_157 = tpu.memref_squeeze %dma_wait3A_156 : memref<1x80xi32, #tpu.memory_space<vmem>> -> memref<80xi32, #tpu.memory_space<vmem>>
          %dma_wait3A_158 = arith.constant 0 : i32
          %dma_wait3A_159 = arith.constant 0 : i32
          %dma_wait3A_160 = tpu.memref_slice %arg21[%dma_wait3A_158, %dma_wait3A_159] : memref<10240x128xbf16, #tpu.memory_space<vmem_shared>> -> memref<10240x128xbf16, #tpu.memory_space<vmem_shared>>
          tpu.wait_indirect_dma semaphore(%arg16 : memref<!tpu.dma_semaphore, #tpu.memory_space<semaphore_mem>>) src(%arg8 : memref<80x128xbf16, #tpu.memory_space<vmem>>) dst(%dma_wait3A_160 : memref<10240x128xbf16, #tpu.memory_space<vmem_shared>>)
        } else {
        }
        %add3A_146 = arith.constant 2 : i32
        %add3A_147 = arith.addi %add3A_101, %add3A_146 : i32
        %dma_start3A_148 = arith.constant 0 : i32
        %dma_start3A_149 = tpu.memref_slice %arg6[%add3A_147, %dma_start3A_148] : memref<128x80xi32, #tpu.memory_space<vmem>> -> memref<1x80xi32, #tpu.memory_space<vmem>>
        %dma_start3A_150 = tpu.memref_squeeze %dma_start3A_149 : memref<1x80xi32, #tpu.memory_space<vmem>> -> memref<80xi32, #tpu.memory_space<vmem>>
        %dma_start3A_151 = arith.constant 0 : i32
        %dma_start3A_152 = arith.constant 0 : i32
        %dma_start3A_153 = tpu.memref_slice %arg20[%dma_start3A_151, %dma_start3A_152] : memref<10240x128xbf16, #tpu.memory_space<vmem_shared>> -> memref<10240x128xbf16, #tpu.memory_space<vmem_shared>>
        tpu.enqueue_indirect_dma source(%dma_start3A_153 : memref<10240x128xbf16, #tpu.memory_space<vmem_shared>>) target(%arg8 : memref<80x128xbf16, #tpu.memory_space<vmem>>) offsets(%dma_start3A_150 : memref<80xi32, #tpu.memory_space<vmem>>) semaphore(%arg12 : memref<!tpu.dma_semaphore, #tpu.memory_space<semaphore_mem>>)
      } else {
      }
      %dma_wait3A_109 = arith.constant 0 : i32
      %dma_wait3A_110 = tpu.memref_slice %arg6[%add3A_101, %dma_wait3A_109] : memref<128x80xi32, #tpu.memory_space<vmem>> -> memref<1x80xi32, #tpu.memory_space<vmem>>
      %dma_wait3A_111 = tpu.memref_squeeze %dma_wait3A_110 : memref<1x80xi32, #tpu.memory_space<vmem>> -> memref<80xi32, #tpu.memory_space<vmem>>
      %dma_wait3A_112 = arith.constant 0 : i32
      %dma_wait3A_113 = arith.constant 0 : i32
      %dma_wait3A_114 = tpu.memref_slice %arg20[%dma_wait3A_112, %dma_wait3A_113] : memref<10240x128xbf16, #tpu.memory_space<vmem_shared>> -> memref<10240x128xbf16, #tpu.memory_space<vmem_shared>>
      tpu.wait_indirect_dma semaphore(%arg14 : memref<!tpu.dma_semaphore, #tpu.memory_space<semaphore_mem>>) src(%dma_wait3A_114 : memref<10240x128xbf16, #tpu.memory_space<vmem_shared>>) dst(%arg10 : memref<80x128xbf16, #tpu.memory_space<vmem>>)
      %dma_start3A_115 = arith.constant 0 : i32
      %dma_start3A_116 = tpu.memref_slice %arg7[%add3A_101, %dma_start3A_115] : memref<128x80xi32, #tpu.memory_space<vmem>> -> memref<1x80xi32, #tpu.memory_space<vmem>>
      %dma_start3A_117 = tpu.memref_squeeze %dma_start3A_116 : memref<1x80xi32, #tpu.memory_space<vmem>> -> memref<80xi32, #tpu.memory_space<vmem>>
      %dma_start3A_118 = arith.constant 0 : i32
      %dma_start3A_119 = arith.constant 0 : i32
      %dma_start3A_120 = tpu.memref_slice %arg21[%dma_start3A_118, %dma_start3A_119] : memref<10240x128xbf16, #tpu.memory_space<vmem_shared>> -> memref<10240x128xbf16, #tpu.memory_space<vmem_shared>>
      tpu.enqueue_indirect_dma source(%arg10 : memref<80x128xbf16, #tpu.memory_space<vmem>>) target(%dma_start3A_120 : memref<10240x128xbf16, #tpu.memory_space<vmem_shared>>) offsets(%dma_start3A_117 : memref<80xi32, #tpu.memory_space<vmem>>) semaphore(%arg18 : memref<!tpu.dma_semaphore, #tpu.memory_space<semaphore_mem>>) {add = true}
      %add3A_121 = arith.constant 3 : i32
      %add3A_122 = arith.addi %add3A_60, %add3A_121 : i32
      %add3A_123 = arith.constant 2 : i32
      %add3A_124 = arith.addi %add3A_122, %add3A_123 : i32
      %lt3A_125 = arith.constant 128 : i32
      %lt3A_126 = arith.cmpi slt, %add3A_124, %lt3A_125 : i32
      %convert_element_type3A_127 = arith.extui %lt3A_126 : i1 to i32
      %cond3A_128 = arith.constant 0 : i32
      %cond3A_129 = arith.cmpi ne, %convert_element_type3A_127, %cond3A_128 : i32
      scf.if %cond3A_129 {
        %ge3A = arith.constant 2 : i32
        %ge3A_142 = arith.cmpi sge, %add3A_122, %ge3A : i32
        %convert_element_type3A_143 = arith.extui %ge3A_142 : i1 to i32
        %cond3A_144 = arith.constant 0 : i32
        %cond3A_145 = arith.cmpi ne, %convert_element_type3A_143, %cond3A_144 : i32
        scf.if %cond3A_145 {
          %sub3A = arith.constant 2 : i32
          %sub3A_154 = arith.subi %add3A_122, %sub3A : i32
          %dma_wait3A_155 = arith.constant 0 : i32
          %dma_wait3A_156 = tpu.memref_slice %arg7[%sub3A_154, %dma_wait3A_155] : memref<128x80xi32, #tpu.memory_space<vmem>> -> memref<1x80xi32, #tpu.memory_space<vmem>>
          %dma_wait3A_157 = tpu.memref_squeeze %dma_wait3A_156 : memref<1x80xi32, #tpu.memory_space<vmem>> -> memref<80xi32, #tpu.memory_space<vmem>>
          %dma_wait3A_158 = arith.constant 0 : i32
          %dma_wait3A_159 = arith.constant 0 : i32
          %dma_wait3A_160 = tpu.memref_slice %arg21[%dma_wait3A_158, %dma_wait3A_159] : memref<10240x128xbf16, #tpu.memory_space<vmem_shared>> -> memref<10240x128xbf16, #tpu.memory_space<vmem_shared>>
          tpu.wait_indirect_dma semaphore(%arg17 : memref<!tpu.dma_semaphore, #tpu.memory_space<semaphore_mem>>) src(%arg9 : memref<80x128xbf16, #tpu.memory_space<vmem>>) dst(%dma_wait3A_160 : memref<10240x128xbf16, #tpu.memory_space<vmem_shared>>)
        } else {
        }
        %add3A_146 = arith.constant 2 : i32
        %add3A_147 = arith.addi %add3A_122, %add3A_146 : i32
        %dma_start3A_148 = arith.constant 0 : i32
        %dma_start3A_149 = tpu.memref_slice %arg6[%add3A_147, %dma_start3A_148] : memref<128x80xi32, #tpu.memory_space<vmem>> -> memref<1x80xi32, #tpu.memory_space<vmem>>
        %dma_start3A_150 = tpu.memref_squeeze %dma_start3A_149 : memref<1x80xi32, #tpu.memory_space<vmem>> -> memref<80xi32, #tpu.memory_space<vmem>>
        %dma_start3A_151 = arith.constant 0 : i32
        %dma_start3A_152 = arith.constant 0 : i32
        %dma_start3A_153 = tpu.memref_slice %arg20[%dma_start3A_151, %dma_start3A_152] : memref<10240x128xbf16, #tpu.memory_space<vmem_shared>> -> memref<10240x128xbf16, #tpu.memory_space<vmem_shared>>
        tpu.enqueue_indirect_dma source(%dma_start3A_153 : memref<10240x128xbf16, #tpu.memory_space<vmem_shared>>) target(%arg9 : memref<80x128xbf16, #tpu.memory_space<vmem>>) offsets(%dma_start3A_150 : memref<80xi32, #tpu.memory_space<vmem>>) semaphore(%arg13 : memref<!tpu.dma_semaphore, #tpu.memory_space<semaphore_mem>>)
      } else {
      }
      %dma_wait3A_130 = arith.constant 0 : i32
      %dma_wait3A_131 = tpu.memref_slice %arg6[%add3A_122, %dma_wait3A_130] : memref<128x80xi32, #tpu.memory_space<vmem>> -> memref<1x80xi32, #tpu.memory_space<vmem>>
      %dma_wait3A_132 = tpu.memref_squeeze %dma_wait3A_131 : memref<1x80xi32, #tpu.memory_space<vmem>> -> memref<80xi32, #tpu.memory_space<vmem>>
      %dma_wait3A_133 = arith.constant 0 : i32
      %dma_wait3A_134 = arith.constant 0 : i32
      %dma_wait3A_135 = tpu.memref_slice %arg20[%dma_wait3A_133, %dma_wait3A_134] : memref<10240x128xbf16, #tpu.memory_space<vmem_shared>> -> memref<10240x128xbf16, #tpu.memory_space<vmem_shared>>
      tpu.wait_indirect_dma semaphore(%arg15 : memref<!tpu.dma_semaphore, #tpu.memory_space<semaphore_mem>>) src(%dma_wait3A_135 : memref<10240x128xbf16, #tpu.memory_space<vmem_shared>>) dst(%arg11 : memref<80x128xbf16, #tpu.memory_space<vmem>>)
      %dma_start3A_136 = arith.constant 0 : i32
      %dma_start3A_137 = tpu.memref_slice %arg7[%add3A_122, %dma_start3A_136] : memref<128x80xi32, #tpu.memory_space<vmem>> -> memref<1x80xi32, #tpu.memory_space<vmem>>
      %dma_start3A_138 = tpu.memref_squeeze %dma_start3A_137 : memref<1x80xi32, #tpu.memory_space<vmem>> -> memref<80xi32, #tpu.memory_space<vmem>>
      %dma_start3A_139 = arith.constant 0 : i32
      %dma_start3A_140 = arith.constant 0 : i32
      %dma_start3A_141 = tpu.memref_slice %arg21[%dma_start3A_139, %dma_start3A_140] : memref<10240x128xbf16, #tpu.memory_space<vmem_shared>> -> memref<10240x128xbf16, #tpu.memory_space<vmem_shared>>
      tpu.enqueue_indirect_dma source(%arg11 : memref<80x128xbf16, #tpu.memory_space<vmem>>) target(%dma_start3A_141 : memref<10240x128xbf16, #tpu.memory_space<vmem_shared>>) offsets(%dma_start3A_138 : memref<80xi32, #tpu.memory_space<vmem>>) semaphore(%arg19 : memref<!tpu.dma_semaphore, #tpu.memory_space<semaphore_mem>>) {add = true}
    }
    %scan3A_23 = arith.constant 32 : i32
    %dma_wait3A = arith.constant 124 : i32
    %dma_wait3A_24 = arith.constant 0 : i32
    %dma_wait3A_25 = tpu.memref_slice %arg7[%dma_wait3A, %dma_wait3A_24] : memref<128x80xi32, #tpu.memory_space<vmem>> -> memref<1x80xi32, #tpu.memory_space<vmem>>
    %dma_wait3A_26 = tpu.memref_squeeze %dma_wait3A_25 : memref<1x80xi32, #tpu.memory_space<vmem>> -> memref<80xi32, #tpu.memory_space<vmem>>
    %dma_wait3A_27 = arith.constant 0 : i32
    %dma_wait3A_28 = arith.constant 0 : i32
    %dma_wait3A_29 = tpu.memref_slice %arg21[%dma_wait3A_27, %dma_wait3A_28] : memref<10240x128xbf16, #tpu.memory_space<vmem_shared>> -> memref<10240x128xbf16, #tpu.memory_space<vmem_shared>>
    tpu.wait_indirect_dma semaphore(%arg16 : memref<!tpu.dma_semaphore, #tpu.memory_space<semaphore_mem>>) src(%arg8 : memref<80x128xbf16, #tpu.memory_space<vmem>>) dst(%dma_wait3A_29 : memref<10240x128xbf16, #tpu.memory_space<vmem_shared>>)
    %dma_wait3A_30 = arith.constant 125 : i32
    %dma_wait3A_31 = arith.constant 0 : i32
    %dma_wait3A_32 = tpu.memref_slice %arg7[%dma_wait3A_30, %dma_wait3A_31] : memref<128x80xi32, #tpu.memory_space<vmem>> -> memref<1x80xi32, #tpu.memory_space<vmem>>
    %dma_wait3A_33 = tpu.memref_squeeze %dma_wait3A_32 : memref<1x80xi32, #tpu.memory_space<vmem>> -> memref<80xi32, #tpu.memory_space<vmem>>
    %dma_wait3A_34 = arith.constant 0 : i32
    %dma_wait3A_35 = arith.constant 0 : i32
    %dma_wait3A_36 = tpu.memref_slice %arg21[%dma_wait3A_34, %dma_wait3A_35] : memref<10240x128xbf16, #tpu.memory_space<vmem_shared>> -> memref<10240x128xbf16, #tpu.memory_space<vmem_shared>>
    tpu.wait_indirect_dma semaphore(%arg17 : memref<!tpu.dma_semaphore, #tpu.memory_space<semaphore_mem>>) src(%arg9 : memref<80x128xbf16, #tpu.memory_space<vmem>>) dst(%dma_wait3A_36 : memref<10240x128xbf16, #tpu.memory_space<vmem_shared>>)
    %dma_wait3A_37 = arith.constant 126 : i32
    %dma_wait3A_38 = arith.constant 0 : i32
    %dma_wait3A_39 = tpu.memref_slice %arg7[%dma_wait3A_37, %dma_wait3A_38] : memref<128x80xi32, #tpu.memory_space<vmem>> -> memref<1x80xi32, #tpu.memory_space<vmem>>
    %dma_wait3A_40 = tpu.memref_squeeze %dma_wait3A_39 : memref<1x80xi32, #tpu.memory_space<vmem>> -> memref<80xi32, #tpu.memory_space<vmem>>
    %dma_wait3A_41 = arith.constant 0 : i32
    %dma_wait3A_42 = arith.constant 0 : i32
    %dma_wait3A_43 = tpu.memref_slice %arg21[%dma_wait3A_41, %dma_wait3A_42] : memref<10240x128xbf16, #tpu.memory_space<vmem_shared>> -> memref<10240x128xbf16, #tpu.memory_space<vmem_shared>>
    tpu.wait_indirect_dma semaphore(%arg18 : memref<!tpu.dma_semaphore, #tpu.memory_space<semaphore_mem>>) src(%arg10 : memref<80x128xbf16, #tpu.memory_space<vmem>>) dst(%dma_wait3A_43 : memref<10240x128xbf16, #tpu.memory_space<vmem_shared>>)
    %dma_wait3A_44 = arith.constant 127 : i32
    %dma_wait3A_45 = arith.constant 0 : i32
    %dma_wait3A_46 = tpu.memref_slice %arg7[%dma_wait3A_44, %dma_wait3A_45] : memref<128x80xi32, #tpu.memory_space<vmem>> -> memref<1x80xi32, #tpu.memory_space<vmem>>
    %dma_wait3A_47 = tpu.memref_squeeze %dma_wait3A_46 : memref<1x80xi32, #tpu.memory_space<vmem>> -> memref<80xi32, #tpu.memory_space<vmem>>
    %dma_wait3A_48 = arith.constant 0 : i32
    %dma_wait3A_49 = arith.constant 0 : i32
    %dma_wait3A_50 = tpu.memref_slice %arg21[%dma_wait3A_48, %dma_wait3A_49] : memref<10240x128xbf16, #tpu.memory_space<vmem_shared>> -> memref<10240x128xbf16, #tpu.memory_space<vmem_shared>>
    tpu.wait_indirect_dma semaphore(%arg19 : memref<!tpu.dma_semaphore, #tpu.memory_space<semaphore_mem>>) src(%arg11 : memref<80x128xbf16, #tpu.memory_space<vmem>>) dst(%dma_wait3A_50 : memref<10240x128xbf16, #tpu.memory_space<vmem_shared>>)
    %barrier3A_51 = arith.constant 0 : index
    tpu.barrier barrier_id(%barrier3A_51)
    %mul3A_52 = arith.constant 640 : i32
    %mul3A_53 = arith.muli %arg1, %mul3A_52 : i32
    %mul3A_54 = arith.constant 640 : i32
    %mul3A_55 = arith.muli %arg1, %mul3A_54 : i32
    "tpu.region"() ({
      %run_scoped3A = tpu.sem_alloc : memref<!tpu.dma_semaphore, #tpu.memory_space<semaphore_mem>>
      %dma_start3A_57 = arith.constant 0 : i32
      %dma_start3A_58 = tpu.memref_slice %arg5[%arg0, %mul3A_55, %dma_start3A_57] : memref<2x10240x128xbf16, #tpu.memory_space<hbm>> -> memref<1x640x128xbf16, #tpu.memory_space<hbm>>
      %dma_start3A_59 = tpu.memref_squeeze %dma_start3A_58 : memref<1x640x128xbf16, #tpu.memory_space<hbm>> -> memref<640x128xbf16, #tpu.memory_space<hbm>>
      %dma_start3A_60 = arith.constant 0 : i32
      %dma_start3A_61 = tpu.memref_slice %arg21[%mul3A_53, %dma_start3A_60] : memref<10240x128xbf16, #tpu.memory_space<vmem_shared>> -> memref<640x128xbf16, #tpu.memory_space<vmem_shared>>
      tpu.enqueue_dma source(%dma_start3A_61 : memref<640x128xbf16, #tpu.memory_space<vmem_shared>>) target(%dma_start3A_59 : memref<640x128xbf16, #tpu.memory_space<hbm>>) target_semaphore(%run_scoped3A : memref<!tpu.dma_semaphore, #tpu.memory_space<semaphore_mem>>)
      %dma_wait3A_62 = arith.constant 0 : i32
      %dma_wait3A_63 = tpu.memref_slice %arg5[%arg0, %mul3A_55, %dma_wait3A_62] : memref<2x10240x128xbf16, #tpu.memory_space<hbm>> -> memref<1x640x128xbf16, #tpu.memory_space<hbm>>
      %dma_wait3A_64 = tpu.memref_squeeze %dma_wait3A_63 : memref<1x640x128xbf16, #tpu.memory_space<hbm>> -> memref<640x128xbf16, #tpu.memory_space<hbm>>
      %dma_wait3A_65 = arith.constant 0 : i32
      %dma_wait3A_66 = tpu.memref_slice %arg21[%mul3A_53, %dma_wait3A_65] : memref<10240x128xbf16, #tpu.memory_space<vmem_shared>> -> memref<640x128xbf16, #tpu.memory_space<vmem_shared>>
      tpu.wait_dma2 semaphore(%run_scoped3A : memref<!tpu.dma_semaphore, #tpu.memory_space<semaphore_mem>>) src(%dma_wait3A_66 : memref<640x128xbf16, #tpu.memory_space<vmem_shared>>) dst(%dma_wait3A_64 : memref<640x128xbf16, #tpu.memory_space<hbm>>)
      tpu.yield
    }) : () -> ()
    %barrier3A_56 = arith.constant 0 : index
    tpu.barrier barrier_id(%barrier3A_56)
    return
  }
}

module attributes {stable_mosaic.version = 14 : i64} {
  func.func @_prep_body(%arg0: i32, %arg1: memref<32x1024xf32, #tpu.memory_space<vmem>>, %arg2: memref<1024x256xf32, #tpu.memory_space<vmem>>, %arg3: memref<1024x1xf32, #tpu.memory_space<vmem>>, %arg4: memref<2x1024x128xbf16, #tpu.memory_space<vmem>>) attributes {dimension_semantics = [#tpu.dimension_semantics<arbitrary>], iteration_bounds = array<i64: 10>, scalar_prefetch = 0 : i64, scratch_operands = 0 : i64, tpu.core_type = #tpu.core_type<tc>, window_params = [{transform_indices = @transform_0, window_bounds = array<i64: 32, 1024>}, {transform_indices = @transform_1, window_bounds = array<i64: 1024, 256>}, {transform_indices = @transform_2, window_bounds = array<i64: 1024, 1>}, {transform_indices = @transform_3, window_bounds = array<i64: 2, 1024, 128>}]} {
    %get3A = arith.constant 0 : index
    %get3A_0 = arith.constant 0 : index
    %get3A_1 = vector.load %arg1[%get3A, %get3A_0] : memref<32x1024xf32, #tpu.memory_space<vmem>>, vector<32x1024xf32>
    %reduce_sum3A = arith.constant dense<0.000000e+00> : vector<1024xf32>
    %reduce_sum3A_2 = vector.multi_reduction <add>, %get3A_1, %reduce_sum3A [0] : vector<32x1024xf32> to vector<1024xf32>
    %add3A = arith.constant 1.000000e+00 : f32
    %add3A_3 = vector.broadcast %add3A : f32 to vector<1024xf32>
    %add3A_4 = arith.addf %reduce_sum3A_2, %add3A_3 : vector<1024xf32>
    %rsqrt3A = math.rsqrt %add3A_4 : vector<1024xf32>
    %broadcast_in_dim3A = vector.shape_cast %rsqrt3A : vector<1024xf32> to vector<1024x1xf32>
    %swap3A = arith.constant 0 : index
    %swap3A_5 = arith.constant 0 : index
    %swap3A_6 = vector.load %arg3[%swap3A, %swap3A_5] : memref<1024x1xf32, #tpu.memory_space<vmem>>, vector<1024x1xf32>
    tpu.vector_store %arg3[%swap3A, %swap3A_5], %broadcast_in_dim3A {strides = array<i32>} : memref<1024x1xf32, #tpu.memory_space<vmem>>, vector<1024x1xf32>,
    %get3A_7 = arith.constant 0 : index
    %get3A_8 = arith.constant 0 : index
    %get3A_9 = vector.load %arg2[%get3A_7, %get3A_8] : memref<1024x256xf32, #tpu.memory_space<vmem>>, vector<1024x128xf32>
    %mul3A = vector.broadcast %broadcast_in_dim3A : vector<1024x1xf32> to vector<1024x128xf32>
    %mul3A_10 = arith.mulf %get3A_9, %mul3A : vector<1024x128xf32>
    %convert_element_type3A = arith.truncf %mul3A_10 : vector<1024x128xf32> to vector<1024x128xbf16>
    %swap3A_11 = arith.constant 0 : index
    %swap3A_12 = arith.constant 0 : index
    %swap3A_13 = arith.constant 0 : index
    %swap3A_14 = vector.load %arg4[%swap3A_11, %swap3A_12, %swap3A_13] : memref<2x1024x128xbf16, #tpu.memory_space<vmem>>, vector<1x1024x128xbf16>
    %swap3A_15 = vector.shape_cast %swap3A_14 : vector<1x1024x128xbf16> to vector<1024x128xbf16>
    %swap3A_16 = vector.shape_cast %convert_element_type3A : vector<1024x128xbf16> to vector<1x1024x128xbf16>
    tpu.vector_store %arg4[%swap3A_11, %swap3A_12, %swap3A_13], %swap3A_16 {strides = array<i32>} : memref<2x1024x128xbf16, #tpu.memory_space<vmem>>, vector<1x1024x128xbf16>,
    %get3A_17 = arith.constant 0 : index
    %get3A_18 = arith.constant 128 : index
    %get3A_19 = vector.load %arg2[%get3A_17, %get3A_18] : memref<1024x256xf32, #tpu.memory_space<vmem>>, vector<1024x128xf32>
    %mul3A_20 = vector.broadcast %broadcast_in_dim3A : vector<1024x1xf32> to vector<1024x128xf32>
    %mul3A_21 = arith.mulf %get3A_19, %mul3A_20 : vector<1024x128xf32>
    %convert_element_type3A_22 = arith.truncf %mul3A_21 : vector<1024x128xf32> to vector<1024x128xbf16>
    %swap3A_23 = arith.constant 1 : index
    %swap3A_24 = arith.constant 0 : index
    %swap3A_25 = arith.constant 0 : index
    %swap3A_26 = vector.load %arg4[%swap3A_23, %swap3A_24, %swap3A_25] : memref<2x1024x128xbf16, #tpu.memory_space<vmem>>, vector<1x1024x128xbf16>
    %swap3A_27 = vector.shape_cast %swap3A_26 : vector<1x1024x128xbf16> to vector<1024x128xbf16>
    %swap3A_28 = vector.shape_cast %convert_element_type3A_22 : vector<1024x128xbf16> to vector<1x1024x128xbf16>
    tpu.vector_store %arg4[%swap3A_23, %swap3A_24, %swap3A_25], %swap3A_28 {strides = array<i32>} : memref<2x1024x128xbf16, #tpu.memory_space<vmem>>, vector<1x1024x128xbf16>,
    return
  }
  func.func @transform_0(%arg0: i32) -> (i32, i32) {
    %c0_i32 = arith.constant 0 : i32
    %c0_i32_0 = arith.constant 0 : i32
    return %c0_i32, %arg0 : i32, i32
  }
  func.func @transform_1(%arg0: i32) -> (i32, i32) {
    %c0_i32 = arith.constant 0 : i32
    %c0_i32_0 = arith.constant 0 : i32
    return %arg0, %c0_i32 : i32, i32
  }
  func.func @transform_2(%arg0: i32) -> (i32, i32) {
    %c0_i32 = arith.constant 0 : i32
    %c0_i32_0 = arith.constant 0 : i32
    return %arg0, %c0_i32 : i32, i32
  }
  func.func @transform_3(%arg0: i32) -> (i32, i32, i32) {
    %c0_i32 = arith.constant 0 : i32
    %c0_i32_0 = arith.constant 0 : i32
    %c0_i32_1 = arith.constant 0 : i32
    return %c0_i32, %arg0, %c0_i32_0 : i32, i32, i32
  }
}

module attributes {stable_mosaic.version = 14 : i64} {
  func.func @_mm_body(%arg0: i32, %arg1: memref<2x1000x128xbf16, #tpu.memory_space<vmem>>, %arg2: memref<1000x1xf32, #tpu.memory_space<vmem>>, %arg3: memref<256x512xf32, #tpu.memory_space<vmem>>, %arg4: memref<1x512xf32, #tpu.memory_space<vmem>>, %arg5: memref<1000x512xf32, #tpu.memory_space<vmem>>) attributes {dimension_semantics = [#tpu.dimension_semantics<arbitrary>], iteration_bounds = array<i64: 10>, scalar_prefetch = 0 : i64, scratch_operands = 0 : i64, tpu.core_type = #tpu.core_type<tc>, window_params = [{transform_indices = @transform_0, window_bounds = array<i64: 2, 1000, 128>}, {transform_indices = @transform_1, window_bounds = array<i64: 1000, 1>}, {pipeline_mode = #tpu.pipeline_mode<synchronous>, transform_indices = @transform_2, window_bounds = array<i64: 256, 512>}, {pipeline_mode = #tpu.pipeline_mode<synchronous>, transform_indices = @transform_3, window_bounds = array<i64: 1, 512>}, {transform_indices = @transform_4, window_bounds = array<i64: 1000, 512>}]} {
    %get3A = arith.constant 0 : index
    %get3A_0 = arith.constant 0 : index
    %get3A_1 = vector.load %arg3[%get3A, %get3A_0] : memref<256x512xf32, #tpu.memory_space<vmem>>, vector<256x512xf32>
    %get3A_2 = arith.constant 0 : index
    %get3A_3 = arith.constant 0 : index
    %get3A_4 = arith.constant 0 : index
    %get3A_5 = vector.load %arg1[%get3A_2, %get3A_3, %get3A_4] : memref<2x1000x128xbf16, #tpu.memory_space<vmem>>, vector<1x1000x128xbf16>
    %get3A_6 = vector.shape_cast %get3A_5 : vector<1x1000x128xbf16> to vector<1000x128xbf16>
    %convert_element_type3A = arith.extf %get3A_6 : vector<1000x128xbf16> to vector<1000x128xf32>
    %slice3A = vector.extract_strided_slice %get3A_1 {offsets = [0, 0], sizes = [128, 512], strides = [1, 1]} : vector<256x512xf32> to vector<128x512xf32>
    %dot_general3A = arith.constant dense<0.000000e+00> : vector<1000x512xf32>
    %dot_general3A_7 = tpu.matmul %convert_element_type3A, %slice3A, %dot_general3A {dimension_numbers = #tpu.dot_dimension_numbers<[1], [0], [0], [1], [0, 0, 1, 1], [], []>, transpose_lhs_hint = false} : vector<1000x128xf32>, vector<128x512xf32>, vector<1000x512xf32> -> vector<1000x512xf32>
    %get3A_8 = arith.constant 1 : index
    %get3A_9 = arith.constant 0 : index
    %get3A_10 = arith.constant 0 : index
    %get3A_11 = vector.load %arg1[%get3A_8, %get3A_9, %get3A_10] : memref<2x1000x128xbf16, #tpu.memory_space<vmem>>, vector<1x1000x128xbf16>
    %get3A_12 = vector.shape_cast %get3A_11 : vector<1x1000x128xbf16> to vector<1000x128xbf16>
    %convert_element_type3A_13 = arith.extf %get3A_12 : vector<1000x128xbf16> to vector<1000x128xf32>
    %slice3A_14 = vector.extract_strided_slice %get3A_1 {offsets = [128, 0], sizes = [128, 512], strides = [1, 1]} : vector<256x512xf32> to vector<128x512xf32>
    %dot_general3A_15 = arith.constant dense<0.000000e+00> : vector<1000x512xf32>
    %dot_general3A_16 = tpu.matmul %convert_element_type3A_13, %slice3A_14, %dot_general3A_15 {dimension_numbers = #tpu.dot_dimension_numbers<[1], [0], [0], [1], [0, 0, 1, 1], [], []>, transpose_lhs_hint = false} : vector<1000x128xf32>, vector<128x512xf32>, vector<1000x512xf32> -> vector<1000x512xf32>
    %add3A = arith.addf %dot_general3A_7, %dot_general3A_16 : vector<1000x512xf32>
    %get3A_17 = arith.constant 0 : index
    %get3A_18 = arith.constant 0 : index
    %get3A_19 = vector.load %arg2[%get3A_17, %get3A_18] : memref<1000x1xf32, #tpu.memory_space<vmem>>, vector<1000x1xf32>
    %mul3A = vector.broadcast %get3A_19 : vector<1000x1xf32> to vector<1000x512xf32>
    %mul3A_20 = arith.mulf %add3A, %mul3A : vector<1000x512xf32>
    %get3A_21 = arith.constant 0 : index
    %get3A_22 = arith.constant 0 : index
    %get3A_23 = vector.load %arg4[%get3A_21, %get3A_22] : memref<1x512xf32, #tpu.memory_space<vmem>>, vector<1x512xf32>
    %add3A_24 = vector.broadcast %get3A_23 : vector<1x512xf32> to vector<1000x512xf32>
    %add3A_25 = arith.addf %mul3A_20, %add3A_24 : vector<1000x512xf32>
    %swap3A = arith.constant 0 : index
    %swap3A_26 = arith.constant 0 : index
    %swap3A_27 = vector.load %arg5[%swap3A, %swap3A_26] : memref<1000x512xf32, #tpu.memory_space<vmem>>, vector<1000x512xf32>
    tpu.vector_store %arg5[%swap3A, %swap3A_26], %add3A_25 {strides = array<i32>} : memref<1000x512xf32, #tpu.memory_space<vmem>>, vector<1000x512xf32>,
    return
  }
  func.func @transform_0(%arg0: i32) -> (i32, i32, i32) {
    %c0_i32 = arith.constant 0 : i32
    %c0_i32_0 = arith.constant 0 : i32
    %c0_i32_1 = arith.constant 0 : i32
    return %c0_i32, %arg0, %c0_i32_0 : i32, i32, i32
  }
  func.func @transform_1(%arg0: i32) -> (i32, i32) {
    %c0_i32 = arith.constant 0 : i32
    %c0_i32_0 = arith.constant 0 : i32
    return %arg0, %c0_i32 : i32, i32
  }
  func.func @transform_2(%arg0: i32) -> (i32, i32) {
    %c0_i32 = arith.constant 0 : i32
    %c0_i32_0 = arith.constant 0 : i32
    %c0_i32_1 = arith.constant 0 : i32
    return %c0_i32, %c0_i32_0 : i32, i32
  }
  func.func @transform_3(%arg0: i32) -> (i32, i32) {
    %c0_i32 = arith.constant 0 : i32
    %c0_i32_0 = arith.constant 0 : i32
    %c0_i32_1 = arith.constant 0 : i32
    return %c0_i32, %c0_i32_0 : i32, i32
  }
  func.func @transform_4(%arg0: i32) -> (i32, i32) {
    %c0_i32 = arith.constant 0 : i32
    %c0_i32_0 = arith.constant 0 : i32
    return %arg0, %c0_i32 : i32, i32
  }
}

</mosaic_0001>

<sc_bundles>
// kernel: kernel.6.cloned.1.call-start
scs
__scs_entry_jumppad:
0x0: {  	(pc) =	sbr.rel $0x88, $3  }
0x1: {  	(tag) =	ssettag $0x0;
	lr =	simm.s32 $0x1  }
0x2: {  	[smem:$0x3F9D] =	sst lr;
	_ =	strace $0xD0000000  }
0x3: {  	_ = 	snop  }
0x4: {  	_ = 	snop  }
0x5: {  	_ = 	snop  }
0x6: {  	_ = 	snop  }
0x7: {  	_ = 	snop  }
__scs_overlays_trampoline_lowered:
0x8: {  	[smem:$0x3FAC] =	sst s0  }
0x9: {  	[smem:$0x3FAD] =	sst s1  }
0xa: {  	[smem:$0x3FAE] =	sst s2  }
0xb: {  	[smem:$0x3FAF] =	sst s3  }
0xc: {  	[smem:$0x3FB0] =	sst s4  }
0xd: {  	[smem:$0x3FB1] =	sst s5  }
0xe: {  	[smem:$0x3FB2] =	sst s6  }
0xf: {  	[smem:$0x3FB3] =	sst s7  }
0x10: {  	[smem:$0x3FB4] =	sst s8  }
0x11: {  	[smem:$0x3FB5] =	sst s9;
	s0 =	simm.s32 @!p0 $0x0  }
0x12: {  	s1 =	sld [smem:$0x3F9B];
	s0 =	simm.s32 @p0 $0x1  }
0x13: {  	[smem:$0x3FB6] =	sst s0;
	s0 =	simm.s32 @!p1 $0x0  }
0x14: {  	s2 =	sld [smem:$0x3F9A];
	s0 =	simm.s32 @p1 $0x1  }
0x15: {  	[smem:$0x3FB7] =	sst s0;
	s0 =	simm.s32 @!p2 $0x0  }
0x16: {  	s3 =	sld [smem:$0x3FDB];
	s0 =	simm.s32 @p2 $0x1  }
0x17: {  	s4 =	simm.s32 $0x1BF5;
	[smem:$0x3FB9] =	sst s0  }
0x18: {  	s0 =	sld [smem:$0x3F9C];
	_ =	swait.ge [sflag:s4], $0x0  }
0x19: {  	s7 =	sld [smem:$0x3F9D]  }
0x1a: {  	s8 =	sadd.s32 $0xFFFFE003, lr  }
0x1b: {  	s9 =	sadd.s32 $0xFFFFFEF7, lr;
	s5 =	simm.s32 $0xFFFFFFFF;
	p2 =	slt.u32 s8, $0xFFFFF086  }
0x1c: {  	p1 =	slt.u32 s9, $0xF7A;
	s5 =	simm.s32 @!p2 $0x0  }
0x1d: {  	s5 =	simm.s32 @p1 $0x1;
	p0 =	seq.s32 s7, s2  }
0x1e: {  	s7 =	smul.u32 @!p0 $0xF7A, s2;
	p2 =	seq.s32 @!p0 s5, $0x0  }
0x1f: {  	s9 =	smul.u32 $0xF7A, s1;
	s8 =	simm.s32 @!p0 $0x1BF5;
	p2 =	por !p2, p0  }
0x20: {  	[sflag:s8] =	ssyncset.s32 @!p0 $0xFFFFF086;
	s6 =	sadd.s32 @!p0 s3, s7;
	s7 =	simm.s32 @!p0 $0x108  }
0x21: {  	s3 =	sadd.s32 s3, s9;
	s6 =	sadd.s32 @!p0 $0x88, s6;
	s7 =	simm.s32 @p2 $0x1082  }
0x22: {  	[simem:s7], [sflag:s8] =	dma.local @!p0 [hbm:s6], $0xF7A  }
0x23: {  	s9 =	sor.u32 $0xD0000000, s2;
	s6 =	simm.s32 $0x108;
	_ =	swait.ge @!p0 [sflag:s8], $0x0  }
0x24: {  	s3 =	sadd.s32 $0x88, s3;
	s6 =	simm.s32 @!p1 $0x1082;
	[sflag:s4] =	ssyncset.s32 $0xFFFFF086  }
0x25: {  	[simem:s6], [sflag:s4] =	dma.local [hbm:s3], $0xF7A  }
0x26: {  	[smem:$0x3F9D] =	sst s1;
	(tag) =	ssettag s2;
	_ =	strace s9  }
0x27: {  	s1 =	sld [smem:$0x3FAD]  }
0x28: {  	s2 =	sld [smem:$0x3FAE]  }
0x29: {  	s4 =	sld [smem:$0x3FB0]  }
0x2a: {  	p0 =	seq.s32 s5, $0x0;
	s5 =	sld [smem:$0x3FB1]  }
0x2b: {  	s6 =	sld [smem:$0x3FB2]  }
0x2c: {  	s7 =	sld [smem:$0x3FB3]  }
0x2d: {  	s3 =	simm.s32 $0x108;
	s8 =	sld [smem:$0x3FB4]  }
0x2e: {  	s3 =	simm.s32 @!p0 $0x1082;
	s9 =	sld [smem:$0x3FB5]  }
0x2f: {  	lr =	sadd.s32 s0, s3;
	s0 =	sld [smem:$0x3FAC]  }
0x30: {  	s3 =	sld [smem:$0x3FAF]  }
0x31: {  	[smem:$0x3FB8] =	sst s10  }
0x32: {  	s10 =	sld [smem:$0x3FB6];
	_ =	sdelay $0x3  }
0x33: {  	p0 =	seq.s32 s10, $0x1;
	s10 =	sld [smem:$0x3FB8];
	_ =	sdelay $0x3  }
0x34: {  	[smem:$0x3FB8] =	sst s10  }
0x35: {  	s10 =	sld [smem:$0x3FB7];
	_ =	sdelay $0x3  }
0x36: {  	p1 =	seq.s32 s10, $0x1;
	s10 =	sld [smem:$0x3FB8];
	_ =	sdelay $0x3  }
0x37: {  	[smem:$0x3FB8] =	sst s10  }
0x38: {  	s10 =	sld [smem:$0x3FB9]  }
0x39: {  	_ = 	snop;
	(pc) =	sbr.ind lr, $3  }
0x3a: {  	_ = 	snop  }
0x3b: {  	_ = 	snop  }
0x3c: {  	p2 =	seq.s32 s10, $0x1;
	s10 =	sld [smem:$0x3FB8]  }
0x3d: {  	_ =	shalt  }
0x3e: {  	_ =	shalt  }
0x3f: {  	_ =	shalt  }
0x40: {  	_ =	shalt  }
0x41: {  	_ =	shalt  }
0x42: {  	_ =	shalt  }
0x43: {  	_ =	shalt  }
0x44: {  	_ =	shalt  }
0x45: {  	_ =	shalt  }
0x46: {  	_ =	shalt  }
0x47: {  	_ =	shalt  }
0x48: {  	_ =	shalt  }
0x49: {  	_ =	shalt  }
0x4a: {  	_ =	shalt  }
0x4b: {  	_ =	shalt  }
0x4c: {  	_ =	shalt  }
0x4d: {  	_ =	shalt  }
0x4e: {  	_ =	shalt  }
0x4f: {  	_ =	shalt  }
0x50: {  	_ =	shalt  }
0x51: {  	_ =	shalt  }
0x52: {  	_ =	shalt  }
0x53: {  	_ =	shalt  }
0x54: {  	_ =	shalt  }
0x55: {  	_ =	shalt  }
0x56: {  	_ =	shalt  }
0x57: {  	_ =	shalt  }
0x58: {  	_ =	shalt  }
0x59: {  	_ =	shalt  }
0x5a: {  	_ =	shalt  }
0x5b: {  	_ =	shalt  }
0x5c: {  	_ =	shalt  }
0x5d: {  	_ =	shalt  }
0x5e: {  	_ =	shalt  }
0x5f: {  	_ =	shalt  }
0x60: {  	_ =	shalt  }
0x61: {  	_ =	shalt  }
0x62: {  	_ =	shalt  }
0x63: {  	_ =	shalt  }
0x64: {  	_ =	shalt  }
0x65: {  	_ =	shalt  }
0x66: {  	_ =	shalt  }
0x67: {  	_ =	shalt  }
0x68: {  	_ =	shalt  }
0x69: {  	_ =	shalt  }
0x6a: {  	_ =	shalt  }
0x6b: {  	_ =	shalt  }
0x6c: {  	_ =	shalt  }
0x6d: {  	_ =	shalt  }
0x6e: {  	_ =	shalt  }
0x6f: {  	_ =	shalt  }
0x70: {  	_ =	shalt  }
0x71: {  	_ =	shalt  }
0x72: {  	_ =	shalt  }
0x73: {  	_ =	shalt  }
0x74: {  	_ =	shalt  }
0x75: {  	_ =	shalt  }
0x76: {  	_ =	shalt  }
0x77: {  	_ =	shalt  }
0x78: {  	_ =	shalt  }
0x79: {  	_ =	shalt  }
0x7a: {  	_ =	shalt  }
0x7b: {  	_ =	shalt  }
0x7c: {  	_ =	shalt  }
0x7d: {  	_ =	shalt  }
0x7e: {  	_ =	shalt  }
0x7f: {  	_ =	shalt  }
0x80: {  	_ =	shalt  }
0x81: {  	_ =	shalt  }
0x82: {  	_ =	shalt  }
0x83: {  	_ =	shalt  }
0x84: {  	_ =	shalt  }
0x85: {  	_ =	shalt  }
0x86: {  	_ =	shalt  }
0x87: {  	_ =	shalt  }
.Lfunc_end0:
.L_simem_size_0:
called_computation_lowered:
.L_overlay_start_0:
0x88: {  	s2 =	sld [smem:$0x3FD9]  }
0x89: {  	s3 =	sld [smem:$0x3FFE];
	_ =	sdelay $0x1  }
0x8a: {  	s1 =	srdreg.scid  }
0x8b: {  	s0 =	sand.u32 $0x1, s1  }
0x8c: {  	s17 =	sshll.u32 s0, $0xA;
	s2 =	sadd.s32 s3, s2  }
0x8d: {  	s2 =	sadd.s32 s2, s17  }
0x8e: {  	[smem:$0x3FC4] =	sst s2  }
0x8f: {  	_ = 	snop  }
0x90: {  	s2 =	sld [smem:$0x3FD0];
	(tm) =	ssettm $0x1  }
0x91: {  	s18 =	sld [smem:$0x3FFB];
	_ =	sdelay $0x3  }
0x92: {  	_ =	strace s18  }
0x93: {  	s3 =	sld [smem:$0x3FFC];
	_ =	sdelay $0x3  }
0x94: {  	_ =	strace s3  }
0x95: {  	s3 =	sld [smem:$0x3FFD];
	_ =	sdelay $0x3  }
0x96: {  	_ =	strace s3  }
0x97: {  	_ =	strace $0x8FFFFFFF  }
0x98: {  	s19 =	sld [smem:$0x3FDB];
	_ =	sdelay $0x1  }
0x99: {  	s4 =	simm.s32 $_scs_section_size  }
0x9a: {  	s5 =	simm.s32 $_size__tile_overlayer_lowered;
	s6 =	simm.s32 $_tile_overlayer_lowered  }
0x9b: {  	s22 =	simm.s32 $0x1BFF;
	s21 =	sshll.u32 s6, $0x1;
	s3 =	sadd.s32 s4, s19  }
0x9c: {  	s7 =	simm.s32 $0x0;
	s20 =	sshll.u32 s5, $0x1;
	s5 =	sadd.s32 s21, s3  }
0x9d: {  	[timem:s7], [sflag:s22] =	dma.local [hbm:s5], s20  }
0x9e: {  	_ =	swait.ge [sflag:s22], s20  }
0x9f: {  	s4 =	ssub.s32 $0x0, s20;
	[sflag:s22] =	ssyncset.done $0x0  }
0xa0: {  	[sflag:s22] =	ssyncadd.s32 s4;
	_ =	sdelay $0x1  }
0xa1: {  	s23 =	simm.s32 $0x1B8B  }
0xa2: {  	_ =	swait.ge [sflag:s23], $0x1  }
0xa3: {  	[sflag:s23] =	ssyncset.done $0x0  }
0xa4: {  	s25 =	simm.s32 $0x1B8E;
	s24 =	sld [smem:$0x3FFE];
	[sflag:s23] =	ssyncadd.s32 $0xFFFFFFFF  }
0xa5: {  	s26 =	simm.s32 $execute0_lowered;
	[smem:$0x3FD2] =	sst s25  }
0xa6: {  	s5 =	sshll.u32 s26, $0x1;
	_ =	strace $0x80000046;
	[dreg:$0x1] =	wrdreg $0xFFFFFFFF  }
0xa7: {  	s28 =	simm.s32 $_size_execute0_lowered;
	s3 =	sadd.s32 s3, s5;
	[dreg:$0x0] =	wrdreg $0x0  }
0xa8: {  	s5 =	sshll.u32 s28, $0x1;
	[dreg:$0x2] =	wrdreg s3  }
0xa9: {  	[dreg:$0x3] =	wrdreg s5  }
0xaa: {  	[dreg:$0x4] =	wrdreg $0xC0  }
0xab: {  	_ =	task [dreg:s7], $0x5FFFF  }
0xac: {  	[dreg:$0x1] =	wrdreg $0xFFFFFFFF  }
0xad: {  	[dreg:$0x0] =	wrdreg $0x60  }
0xae: {  	[dreg:$0x2] =	wrdreg s24  }
0xaf: {  	[dreg:$0x3] =	wrdreg s2  }
0xb0: {  	[dreg:$0x4] =	wrdreg $0x9  }
0xb1: {  	_ =	task.clear_ibuf [dreg:s7], $0x5FFFF;
	_ =	strace $0x90000046  }
0xb2: {  	s29 =	simm.s32 $0x9;
	_ =	strace $0x80000048  }
0xb3: {  	_ =	swait.ge [sflag:s29], $0x1  }
0xb4: {  	[sflag:s29] =	ssyncadd.s32 $0xFFFFFFFF  }
0xb5: {  	_ =	strace $0x90000048  }
0xb6: {  	_ =	sfence  }
0xb7: {  	s30 =	sld [smem:$0x0];
	_ =	sdelay $0x2  }
0xb8: {  	s31 =	sshll.u32 s1, $0xD;
	s1 =	sshrl.u32 s1, $0x2  }
0xb9: {  	s3 =	sand.u32 $0x4000, s31;
	s1 =	sadd.s32 s1, s30  }
0xba: {  	s0 =	sor.u32 s3, s0;
	s1 =	sshll.u32 s1, $0x11  }
0xbb: {  	s0 =	sor.u32 s1, s0  }
0xbc: {  	s0 =	sadd.s32 $0x8F2B, s0  }
0xbd: {  	[sflag:s0] =	ssyncadd.remote.s32 $0x1  }
0xbe: {  	_ =	sfence.sel $0xFFFF  }
0xbf: {  	[dreg:$0x0] =	wrdreg $0xFFFFFFFF;
	(pc) =	sbr.abs _section_cstart, $3  }
0xc0: {  	[dreg:$0x1] =	wrdreg $0xFFFFFFFF  }
0xc1: {  	_ =	task.clear_ibuf [dreg:s7], $0x2FFFF;
	_ =	strace $0x9FFFFFFF  }
0xc2: {  	(tm) =	ssettm $0x7FFFFFFF  }
0xc3: {  	_ =	shalt  }
tec
execute0_lowered:
.L_overlay_start_1:
0x0: {  	(tag) =	ssettag $0x1  }
0x1: {  	s3 =	rddreg [dreg:$0x0]  }
0x2: {  	s1 =	srdreg.scid;
	s0 =	stileid.u32  }
0x3: {  	s4 =	rddreg [dreg:$0x1];
	s5 =	sand.u32 $0x1, s1;
	s2 =	sshll.u32 s0, $0x1  }
0x4: {  	s1 =	rddreg [dreg:$0x2];
	s6 =	sor.u32 s5, s2  }
0x5: {  	s2 =	simm.s32 $0x0;
	s5 =	ssub.s32 $0x2, s5;
	s7 =	smul.u32 $0x280, s6  }
0x6: {  	[smem:$0x7FF] =	sst s2;
	s8 =	sshrl.u32 s5, $0x1;
	s6 =	smul.u32 $0x500, s6  }
0x7: {  	_ =	strace $0x80000047;
	s5 =	ssub.s32 s5, s8;
	s8 =	simm.s32 $0x0  }
0x8: {  	s3 =	sadd.s32 s7, s3;
	s4 =	sadd.s32 s4, s6;
	s5 =	smax.u32 s5, $0x1  }
0x9: {  	v0 =	vimm.f32 $0.0e+00;
	v1 =	vimm.f32 $1.000000000e+00;
	s6 =	simm.s32 $0x1;
	s7 =	simm.s32 $0x1400;
	s3 =	sadd.s32 $0x800, s3  }
.LBB2_1:
0xa: {  	s9 =	simm.s32 $0x40;
	s10 =	simm.s32 $0x0  }
.LBB2_2:
0xb: {  	p0 =	sne.s32 s9, $0x9FC0;
	[tilespmem:s10+$0x1400] =	vst v0;
	s10 =	smov.u32 s9;
	s9 =	sadd.s32 $0x40, s9  }
.Ltmp0:
0xc: {  	(pc) =	sbr.rel @p0 .LBB2_2-.Ltmp0, $2  }
0xd: {  	_ =	sdelay $0x2  }
0xe: {  	s10 =	sshra.s32 s10, $0x2  }
0xf: {  	[tilespmem:s10+$0x1400] =	vst v0  }
0x10: {  	[tilespmem:s2], [sflag:$0x1] =	stream.linear.gather [hbm4b:s3+s2], $0x1400, $0x38;
	[tilespmem:$0x3C00] =	vst v63  }
0x11: {  	_ =	swait.ge [sflag:s6], $0x1400  }
0x12: {  	[sflag:s6] =	ssyncset.done $0x0  }
0x13: {  	s9 =	simm.s32 $0x1C0;
	[sflag:s6] =	ssyncadd.s32 $0xFFFFEC00  }
.LBB2_4:
0x14: {  	s10 =	sshra.s32 s9, $0x2  }
0x15: {  	v2 =	vld [tilespmem:s10+$0xFFFFFF90];
	_ =	sdelay $0x7  }
0x16: {  	[tilespmem:v2+s7+$0x0] =	vst.idx.add.f32.msk $0xffff, v1  }
0x17: {  	v2 =	vld [tilespmem:s10+$0xFFFFFFA0];
	_ =	sdelay $0x7  }
0x18: {  	[tilespmem:v2+s7+$0x0] =	vst.idx.add.f32.msk $0xffff, v1  }
0x19: {  	v2 =	vld [tilespmem:s10+$0xFFFFFFB0];
	_ =	sdelay $0x7  }
0x1a: {  	[tilespmem:v2+s7+$0x0] =	vst.idx.add.f32.msk $0xffff, v1  }
0x1b: {  	v2 =	vld [tilespmem:s10+$0xFFFFFFC0];
	_ =	sdelay $0x7  }
0x1c: {  	[tilespmem:v2+s7+$0x0] =	vst.idx.add.f32.msk $0xffff, v1  }
0x1d: {  	v2 =	vld [tilespmem:s10+$0xFFFFFFD0];
	_ =	sdelay $0x7  }
0x1e: {  	[tilespmem:v2+s7+$0x0] =	vst.idx.add.f32.msk $0xffff, v1  }
0x1f: {  	v2 =	vld [tilespmem:s10+$0xFFFFFFE0];
	_ =	sdelay $0x7  }
0x20: {  	[tilespmem:v2+s7+$0x0] =	vst.idx.add.f32.msk $0xffff, v1  }
0x21: {  	v2 =	vld [tilespmem:s10+$0xFFFFFFF0];
	_ =	sdelay $0x7  }
0x22: {  	[tilespmem:v2+s7+$0x0] =	vst.idx.add.f32.msk $0xffff, v1  }
0x23: {  	v2 =	vld [tilespmem:s10+$0x0];
	_ =	sdelay $0x2  }
0x24: {  	p0 =	sne.s32 s9, $0x4FC0  }
.Ltmp1:
0x25: {  	_ = 	snop;
	(pc) =	sbr.rel @p0 .LBB2_4-.Ltmp1, $2  }
0x26: {  	_ =	sdelay $0x2  }
0x27: {  	s9 =	sadd.s32 $0x200, s9;
	[tilespmem:v2+s7+$0x0] =	vst.idx.add.f32.msk $0xffff, v1  }
0x28: {  	s8 =	sadd.s32 $0x1, s8  }
0x29: {  	p0 =	sne.s32 s8, s5  }
.Ltmp2:
0x2a: {  	_ = 	snop;
	(pc) =	sbr.rel @p0 .LBB2_1-.Ltmp2, $4  }
0x2b: {  	[hbm4b:s4+s2] =	stream.linear.scatter [tilespmem:s7], [sflag:$0x1], $0x2800, $0x38;
	[tilespmem:$0x3C00] =	vst v63  }
0x2c: {  	_ =	swait.ge [sflag:s6], $0x2800  }
0x2d: {  	[sflag:s6] =	ssyncset.done $0x0  }
0x2e: {  	[sflag:s6] =	ssyncadd.s32 $0xFFFFD800  }
0x2f: {  	_ =	sfence.sel $0x180000  }
0x30: {  	[bflag:$0x0] =	sbarrier.arrive $0xFFFF  }
0x31: {  	p0 =	sne.s32 s0, $0x0;
	_ =	strace $0x90000047  }
0x32: {  	s0 =	sadd.s32 @!p0 $0x100000, s1;
	[bflag:$0x2] =	sbarrier.arrive $0xFFFF  }
0x33: {  	[sflag:s0] =	ssyncadd.tile.s32 @!p0 $0x1;
	_ =	shalt  }
.Lfunc_end2:
_tile_overlayer_lowered:
.L_overlay_start_2:
0x34: {  	(tag) =	ssettag $0x2  }
0x35: {  	s0 =	rddreg [dreg:$0x0];
	s2 =	stileid.u32  }
0x36: {  	s1 =	rddreg [dreg:$0x1];
	p0 =	sne.s32 s2, $0x0  }
0x37: {  	s3 =	rddreg [dreg:$0x2];
	[bflag:$0x3] =	sbarrier.arrive $0xFFFF;
	s2 =	simm.s32 @!p0 $0x1C01  }
0x38: {  	[timem:s3], [sflag:s2] =	dma.local @!p0 [hbm:s0], s1  }
0x39: {  	s0 =	simm.s32 @!p0 $0x1  }
0x3a: {  	_ =	swait.ge @!p0 [sflag:s0], s1  }
0x3b: {  	s1 =	ssub.s32 @!p0 $0x0, s1;
	[sflag:s0] =	ssyncset.done @!p0 $0x0  }
0x3c: {  	[sflag:s0] =	ssyncadd.s32 @!p0 s1  }
0x3d: {  	[bflag:$0x3] =	sbarrier.arrive $0xFFFF  }
0x3e: {  	_ =	shalt  }

// kernel: kernel.9.cloned.1.call-start
scs
__scs_entry_jumppad:
0x0: {  	(pc) =	sbr.rel $0x88, $3  }
0x1: {  	(tag) =	ssettag $0x0;
	lr =	simm.s32 $0x1  }
0x2: {  	[smem:$0x3F9D] =	sst lr;
	_ =	strace $0xD0000000  }
0x3: {  	_ = 	snop  }
0x4: {  	_ = 	snop  }
0x5: {  	_ = 	snop  }
0x6: {  	_ = 	snop  }
0x7: {  	_ = 	snop  }
__scs_overlays_trampoline_lowered:
0x8: {  	[smem:$0x3FAC] =	sst s0  }
0x9: {  	[smem:$0x3FAD] =	sst s1  }
0xa: {  	[smem:$0x3FAE] =	sst s2  }
0xb: {  	[smem:$0x3FAF] =	sst s3  }
0xc: {  	[smem:$0x3FB0] =	sst s4  }
0xd: {  	[smem:$0x3FB1] =	sst s5  }
0xe: {  	[smem:$0x3FB2] =	sst s6  }
0xf: {  	[smem:$0x3FB3] =	sst s7  }
0x10: {  	[smem:$0x3FB4] =	sst s8  }
0x11: {  	[smem:$0x3FB5] =	sst s9;
	s0 =	simm.s32 @!p0 $0x0  }
0x12: {  	s1 =	sld [smem:$0x3F9B];
	s0 =	simm.s32 @p0 $0x1  }
0x13: {  	[smem:$0x3FB6] =	sst s0;
	s0 =	simm.s32 @!p1 $0x0  }
0x14: {  	s2 =	sld [smem:$0x3F9A];
	s0 =	simm.s32 @p1 $0x1  }
0x15: {  	[smem:$0x3FB7] =	sst s0;
	s0 =	simm.s32 @!p2 $0x0  }
0x16: {  	s3 =	sld [smem:$0x3FDB];
	s0 =	simm.s32 @p2 $0x1  }
0x17: {  	s4 =	simm.s32 $0x1BF5;
	[smem:$0x3FB9] =	sst s0  }
0x18: {  	s0 =	sld [smem:$0x3F9C];
	_ =	swait.ge [sflag:s4], $0x0  }
0x19: {  	s7 =	sld [smem:$0x3F9D]  }
0x1a: {  	s8 =	sadd.s32 $0xFFFFE003, lr  }
0x1b: {  	s9 =	sadd.s32 $0xFFFFFEF7, lr;
	s5 =	simm.s32 $0xFFFFFFFF;
	p2 =	slt.u32 s8, $0xFFFFF086  }
0x1c: {  	p1 =	slt.u32 s9, $0xF7A;
	s5 =	simm.s32 @!p2 $0x0  }
0x1d: {  	s5 =	simm.s32 @p1 $0x1;
	p0 =	seq.s32 s7, s2  }
0x1e: {  	s7 =	smul.u32 @!p0 $0xF7A, s2;
	p2 =	seq.s32 @!p0 s5, $0x0  }
0x1f: {  	s9 =	smul.u32 $0xF7A, s1;
	s8 =	simm.s32 @!p0 $0x1BF5;
	p2 =	por !p2, p0  }
0x20: {  	[sflag:s8] =	ssyncset.s32 @!p0 $0xFFFFF086;
	s6 =	sadd.s32 @!p0 s3, s7;
	s7 =	simm.s32 @!p0 $0x108  }
0x21: {  	s3 =	sadd.s32 s3, s9;
	s6 =	sadd.s32 @!p0 $0x88, s6;
	s7 =	simm.s32 @p2 $0x1082  }
0x22: {  	[simem:s7], [sflag:s8] =	dma.local @!p0 [hbm:s6], $0xF7A  }
0x23: {  	s9 =	sor.u32 $0xD0000000, s2;
	s6 =	simm.s32 $0x108;
	_ =	swait.ge @!p0 [sflag:s8], $0x0  }
0x24: {  	s3 =	sadd.s32 $0x88, s3;
	s6 =	simm.s32 @!p1 $0x1082;
	[sflag:s4] =	ssyncset.s32 $0xFFFFF086  }
0x25: {  	[simem:s6], [sflag:s4] =	dma.local [hbm:s3], $0xF7A  }
0x26: {  	[smem:$0x3F9D] =	sst s1;
	(tag) =	ssettag s2;
	_ =	strace s9  }
0x27: {  	s1 =	sld [smem:$0x3FAD]  }
0x28: {  	s2 =	sld [smem:$0x3FAE]  }
0x29: {  	s4 =	sld [smem:$0x3FB0]  }
0x2a: {  	p0 =	seq.s32 s5, $0x0;
	s5 =	sld [smem:$0x3FB1]  }
0x2b: {  	s6 =	sld [smem:$0x3FB2]  }
0x2c: {  	s7 =	sld [smem:$0x3FB3]  }
0x2d: {  	s3 =	simm.s32 $0x108;
	s8 =	sld [smem:$0x3FB4]  }
0x2e: {  	s3 =	simm.s32 @!p0 $0x1082;
	s9 =	sld [smem:$0x3FB5]  }
0x2f: {  	lr =	sadd.s32 s0, s3;
	s0 =	sld [smem:$0x3FAC]  }
0x30: {  	s3 =	sld [smem:$0x3FAF]  }
0x31: {  	[smem:$0x3FB8] =	sst s10  }
0x32: {  	s10 =	sld [smem:$0x3FB6];
	_ =	sdelay $0x3  }
0x33: {  	p0 =	seq.s32 s10, $0x1;
	s10 =	sld [smem:$0x3FB8];
	_ =	sdelay $0x3  }
0x34: {  	[smem:$0x3FB8] =	sst s10  }
0x35: {  	s10 =	sld [smem:$0x3FB7];
	_ =	sdelay $0x3  }
0x36: {  	p1 =	seq.s32 s10, $0x1;
	s10 =	sld [smem:$0x3FB8];
	_ =	sdelay $0x3  }
0x37: {  	[smem:$0x3FB8] =	sst s10  }
0x38: {  	s10 =	sld [smem:$0x3FB9]  }
0x39: {  	_ = 	snop;
	(pc) =	sbr.ind lr, $3  }
0x3a: {  	_ = 	snop  }
0x3b: {  	_ = 	snop  }
0x3c: {  	p2 =	seq.s32 s10, $0x1;
	s10 =	sld [smem:$0x3FB8]  }
0x3d: {  	_ =	shalt  }
0x3e: {  	_ =	shalt  }
0x3f: {  	_ =	shalt  }
0x40: {  	_ =	shalt  }
0x41: {  	_ =	shalt  }
0x42: {  	_ =	shalt  }
0x43: {  	_ =	shalt  }
0x44: {  	_ =	shalt  }
0x45: {  	_ =	shalt  }
0x46: {  	_ =	shalt  }
0x47: {  	_ =	shalt  }
0x48: {  	_ =	shalt  }
0x49: {  	_ =	shalt  }
0x4a: {  	_ =	shalt  }
0x4b: {  	_ =	shalt  }
0x4c: {  	_ =	shalt  }
0x4d: {  	_ =	shalt  }
0x4e: {  	_ =	shalt  }
0x4f: {  	_ =	shalt  }
0x50: {  	_ =	shalt  }
0x51: {  	_ =	shalt  }
0x52: {  	_ =	shalt  }
0x53: {  	_ =	shalt  }
0x54: {  	_ =	shalt  }
0x55: {  	_ =	shalt  }
0x56: {  	_ =	shalt  }
0x57: {  	_ =	shalt  }
0x58: {  	_ =	shalt  }
0x59: {  	_ =	shalt  }
0x5a: {  	_ =	shalt  }
0x5b: {  	_ =	shalt  }
0x5c: {  	_ =	shalt  }
0x5d: {  	_ =	shalt  }
0x5e: {  	_ =	shalt  }
0x5f: {  	_ =	shalt  }
0x60: {  	_ =	shalt  }
0x61: {  	_ =	shalt  }
0x62: {  	_ =	shalt  }
0x63: {  	_ =	shalt  }
0x64: {  	_ =	shalt  }
0x65: {  	_ =	shalt  }
0x66: {  	_ =	shalt  }
0x67: {  	_ =	shalt  }
0x68: {  	_ =	shalt  }
0x69: {  	_ =	shalt  }
0x6a: {  	_ =	shalt  }
0x6b: {  	_ =	shalt  }
0x6c: {  	_ =	shalt  }
0x6d: {  	_ =	shalt  }
0x6e: {  	_ =	shalt  }
0x6f: {  	_ =	shalt  }
0x70: {  	_ =	shalt  }
0x71: {  	_ =	shalt  }
0x72: {  	_ =	shalt  }
0x73: {  	_ =	shalt  }
0x74: {  	_ =	shalt  }
0x75: {  	_ =	shalt  }
0x76: {  	_ =	shalt  }
0x77: {  	_ =	shalt  }
0x78: {  	_ =	shalt  }
0x79: {  	_ =	shalt  }
0x7a: {  	_ =	shalt  }
0x7b: {  	_ =	shalt  }
0x7c: {  	_ =	shalt  }
0x7d: {  	_ =	shalt  }
0x7e: {  	_ =	shalt  }
0x7f: {  	_ =	shalt  }
0x80: {  	_ =	shalt  }
0x81: {  	_ =	shalt  }
0x82: {  	_ =	shalt  }
0x83: {  	_ =	shalt  }
0x84: {  	_ =	shalt  }
0x85: {  	_ =	shalt  }
0x86: {  	_ =	shalt  }
0x87: {  	_ =	shalt  }
.Lfunc_end0:
.L_simem_size_0:
called_computation.1_lowered:
.L_overlay_start_0:
0x88: {  	s2 =	sld [smem:$0x3FD9]  }
0x89: {  	s3 =	sld [smem:$0x3FFE];
	_ =	sdelay $0x1  }
0x8a: {  	s1 =	srdreg.scid  }
0x8b: {  	s0 =	sand.u32 $0x1, s1  }
0x8c: {  	s17 =	sshll.u32 s0, $0xA;
	s2 =	sadd.s32 s3, s2  }
0x8d: {  	s2 =	sadd.s32 s2, s17  }
0x8e: {  	[smem:$0x3FC4] =	sst s2  }
0x8f: {  	_ = 	snop  }
0x90: {  	s2 =	sld [smem:$0x3FD0];
	(tm) =	ssettm $0x1  }
0x91: {  	s18 =	sld [smem:$0x3FFB];
	_ =	sdelay $0x3  }
0x92: {  	_ =	strace s18  }
0x93: {  	s3 =	sld [smem:$0x3FFC];
	_ =	sdelay $0x3  }
0x94: {  	_ =	strace s3  }
0x95: {  	s3 =	sld [smem:$0x3FFD];
	_ =	sdelay $0x3  }
0x96: {  	_ =	strace s3  }
0x97: {  	_ =	strace $0x8FFFFFFF  }
0x98: {  	s19 =	sld [smem:$0x3FDB];
	_ =	sdelay $0x1  }
0x99: {  	s4 =	simm.s32 $_scs_section_size  }
0x9a: {  	s5 =	simm.s32 $_size__tile_overlayer_lowered;
	s6 =	simm.s32 $_tile_overlayer_lowered  }
0x9b: {  	s22 =	simm.s32 $0x1BFF;
	s21 =	sshll.u32 s6, $0x1;
	s3 =	sadd.s32 s4, s19  }
0x9c: {  	s7 =	simm.s32 $0x0;
	s20 =	sshll.u32 s5, $0x1;
	s5 =	sadd.s32 s21, s3  }
0x9d: {  	[timem:s7], [sflag:s22] =	dma.local [hbm:s5], s20  }
0x9e: {  	_ =	swait.ge [sflag:s22], s20  }
0x9f: {  	s4 =	ssub.s32 $0x0, s20;
	[sflag:s22] =	ssyncset.done $0x0  }
0xa0: {  	[sflag:s22] =	ssyncadd.s32 s4;
	_ =	sdelay $0x1  }
0xa1: {  	s23 =	simm.s32 $0x1B8B  }
0xa2: {  	_ =	swait.ge [sflag:s23], $0x1  }
0xa3: {  	[sflag:s23] =	ssyncset.done $0x0  }
0xa4: {  	s25 =	simm.s32 $0x1B8E;
	s24 =	sld [smem:$0x3FFE];
	[sflag:s23] =	ssyncadd.s32 $0xFFFFFFFF  }
0xa5: {  	s26 =	simm.s32 $execute0_lowered;
	[smem:$0x3FD2] =	sst s25  }
0xa6: {  	s5 =	sshll.u32 s26, $0x1;
	_ =	strace $0x80000049;
	[dreg:$0x1] =	wrdreg $0xFFFFFFFF  }
0xa7: {  	s28 =	simm.s32 $_size_execute0_lowered;
	s3 =	sadd.s32 s3, s5;
	[dreg:$0x0] =	wrdreg $0x0  }
0xa8: {  	s5 =	sshll.u32 s28, $0x1;
	[dreg:$0x2] =	wrdreg s3  }
0xa9: {  	[dreg:$0x3] =	wrdreg s5  }
0xaa: {  	[dreg:$0x4] =	wrdreg $0xC0  }
0xab: {  	_ =	task [dreg:s7], $0x5FFFF  }
0xac: {  	[dreg:$0x1] =	wrdreg $0xFFFFFFFF  }
0xad: {  	[dreg:$0x0] =	wrdreg $0x60  }
0xae: {  	[dreg:$0x2] =	wrdreg s2  }
0xaf: {  	[dreg:$0x3] =	wrdreg s24  }
0xb0: {  	[dreg:$0x4] =	wrdreg $0xA0000  }
0xb1: {  	[dreg:$0x5] =	wrdreg $0x140000  }
0xb2: {  	[dreg:$0x6] =	wrdreg $0x9  }
0xb3: {  	_ =	task.clear_ibuf [dreg:s7], $0x7FFFF;
	_ =	strace $0x90000049  }
0xb4: {  	s29 =	simm.s32 $0x9;
	_ =	strace $0x8000004B  }
0xb5: {  	_ =	swait.ge [sflag:s29], $0x1  }
0xb6: {  	[sflag:s29] =	ssyncadd.s32 $0xFFFFFFFF  }
0xb7: {  	_ =	strace $0x9000004B  }
0xb8: {  	_ =	sfence  }
0xb9: {  	s30 =	sld [smem:$0x0];
	_ =	sdelay $0x2  }
0xba: {  	s31 =	sshll.u32 s1, $0xD;
	s1 =	sshrl.u32 s1, $0x2  }
0xbb: {  	s3 =	sand.u32 $0x4000, s31;
	s1 =	sadd.s32 s1, s30  }
0xbc: {  	s0 =	sor.u32 s3, s0;
	s1 =	sshll.u32 s1, $0x11  }
0xbd: {  	s0 =	sor.u32 s1, s0  }
0xbe: {  	s0 =	sadd.s32 $0x8F2B, s0  }
0xbf: {  	[sflag:s0] =	ssyncadd.remote.s32 $0x1  }
0xc0: {  	_ =	sfence.sel $0xFFFF  }
0xc1: {  	[dreg:$0x0] =	wrdreg $0xFFFFFFFF;
	(pc) =	sbr.abs _section_cstart, $3  }
0xc2: {  	[dreg:$0x1] =	wrdreg $0xFFFFFFFF  }
0xc3: {  	_ =	task.clear_ibuf [dreg:s7], $0x2FFFF;
	_ =	strace $0x9FFFFFFF  }
0xc4: {  	(tm) =	ssettm $0x7FFFFFFF  }
0xc5: {  	_ =	shalt  }
tec
execute0_lowered:
.L_overlay_start_1:
0x0: {  	(tag) =	ssettag $0x1  }
0x1: {  	s0 =	rddreg [dreg:$0x0]  }
0x2: {  	s1 =	rddreg [dreg:$0x1]  }
0x3: {  	s3 =	srdreg.scid;
	s2 =	rddreg [dreg:$0x2]  }
0x4: {  	s12 =	stileid.u32;
	s4 =	simm.s32 $0x0;
	s11 =	simm.s32 $0x2800  }
0x5: {  	s15 =	simm.s32 $0x50;
	s16 =	simm.s32 $0x5000;
	s17 =	simm.s32 $0x6400  }
0x6: {  	s19 =	simm.s32 $0x7800;
	s20 =	simm.s32 $0x1;
	s22 =	simm.s32 $0x8C00  }
0x7: {  	s23 =	simm.s32 $0x2;
	s28 =	simm.s32 $0x3;
	s30 =	simm.s32 $0x6  }
0x8: {  	s18 =	simm.s32 $0x7;
	s21 =	simm.s32 $0x8;
	s7 =	smul.u32 $0x14000, s12  }
0x9: {  	s5 =	sand.u32 $0x1, s3;
	s3 =	rddreg [dreg:$0x3];
	s8 =	smul.u32 $0x500, s12  }
0xa: {  	[smem:$0x7FF] =	sst s4;
	s31 =	sshll.u32 s12, $0x6;
	s6 =	smul.u32 $0x140000, s5  }
0xb: {  	_ =	strace $0x8000004A;
	s5 =	ssub.s32 $0x2, s5;
	s12 =	sor.u32 $0x1C09, s31  }
0xc: {  	s24 =	sadd.s32 s8, s1;
	s25 =	sshrl.u32 s5, $0x1;
	s26 =	sshrl.u32 s7, $0x1  }
0xd: {  	s6 =	sadd.s32 s7, s6;
	s10 =	ssub.s32 s5, s25;
	s5 =	sadd.s32 $0x5800, s24  }
0xe: {  	s13 =	sadd.s32 s26, s2;
	s29 =	sadd.s32 s26, s3;
	s25 =	simm.s32 $0x5  }
0xf: {  	s9 =	sshrl.u32 s6, $0x4;
	s6 =	sadd.s32 $0x800, s24;
	s13 =	sshrl.u32 s13, $0x3  }
0x10: {  	s14 =	sshrl.u32 s29, $0x3;
	s24 =	simm.s32 $0x0;
	s1 =	sadd.s32 s9, s1  }
0x11: {  	s7 =	sadd.s32 s0, s9;
	s9 =	smax.u32 s10, $0x1;
	s10 =	simm.s32 $0x9  }
0x12: {  	s0 =	simm.s32 $0x28F0;
	s8 =	sadd.s32 $0xA800, s1;
	s1 =	simm.s32 $0x4  }
.LBB2_1:
0x13: {  	[tilespmem:s4], [sflag:$0x9] =	stream.linear.gather [hbm4b:s5+s4], $0x2800, $0x38;
	[tilespmem:$0x1E000] =	vst v63  }
0x14: {  	_ =	swait.ge [sflag:s10], $0x2800  }
0x15: {  	[sflag:s10] =	ssyncset.done $0x0  }
0x16: {  	[sflag:s10] =	ssyncadd.s32 $0xFFFFD800  }
0x17: {  	[tilespmem:s11], [sflag:$0x9] =	stream.linear.gather [hbm4b:s6+s4], $0x2800, $0x38;
	[tilespmem:$0x1E000] =	vst v63  }
0x18: {  	_ =	swait.ge [sflag:s10], $0x2800  }
0x19: {  	[sflag:s10] =	ssyncset.done $0x0  }
0x1a: {  	[sflag:s10] =	ssyncadd.s32 $0xFFFFD800  }
0x1b: {  	[spmem:s13], [sflag:s12] =	dma.local [hbm:s7], $0x1400  }
0x1c: {  	_ =	swait.ge [sflag:s10], $0x1400  }
0x1d: {  	[sflag:s10] =	ssyncset.done $0x0  }
0x1e: {  	[sflag:s10] =	ssyncadd.s32 $0xFFFFEC00  }
0x1f: {  	[spmem:s14], [sflag:s12] =	dma.local [hbm:s7], $0x1400  }
0x20: {  	_ =	swait.ge [sflag:s10], $0x1400  }
0x21: {  	[sflag:s10] =	ssyncset.done $0x0  }
0x22: {  	[sflag:s10] =	ssyncadd.s32 $0xFFFFEC00  }
0x23: {  	[bflag:$0x0] =	sbarrier.arrive $0xFFFF  }
0x24: {  	[tilespmem:s16], [sflag:$0x1] =	stream.indirect.gather [spmem:s2], $0x40, s4, s15, $0xb8;
	[tilespmem:$0x1E000] =	vst v63  }
0x25: {  	_ = 	snop  }
0x26: {  	[tilespmem:s17], [sflag:$0x2] =	stream.indirect.gather [spmem:s2], $0x40, s15, s15, $0xb8;
	[tilespmem:$0x1E000] =	vst v63  }
0x27: {  	s26 =	simm.s32 $0xA0  }
0x28: {  	[tilespmem:s19], [sflag:$0x3] =	stream.indirect.gather [spmem:s2], $0x40, s26, s15, $0xb8;
	[tilespmem:$0x1E000] =	vst v63  }
0x29: {  	_ =	swait.ge [sflag:s20], $0x1400  }
0x2a: {  	[sflag:s20] =	ssyncset.done $0x0  }
0x2b: {  	[sflag:s20] =	ssyncadd.s32 $0xFFFFEC00  }
0x2c: {  	[spmem:s3] =	stream.indirect.scatter.add.bf16 [tilespmem:s16], [sflag:$0x5], $0x40, s11, s15, $0xb8;
	[tilespmem:$0x1E000] =	vst v63  }
0x2d: {  	s31 =	simm.s32 $0xF0  }
0x2e: {  	[tilespmem:s22], [sflag:$0x4] =	stream.indirect.gather [spmem:s2], $0x40, s31, s15, $0xb8;
	[tilespmem:$0x1E000] =	vst v63  }
0x2f: {  	_ =	swait.ge [sflag:s23], $0x1400  }
0x30: {  	[sflag:s23] =	ssyncset.done $0x0  }
0x31: {  	s31 =	simm.s32 $0x2850;
	[sflag:s23] =	ssyncadd.s32 $0xFFFFEC00  }
0x32: {  	[spmem:s3] =	stream.indirect.scatter.add.bf16 [tilespmem:s17], [sflag:$0x6], $0x40, s31, s15, $0xb8;
	[tilespmem:$0x1E000] =	vst v63  }
0x33: {  	_ =	swait.ge [sflag:s25], $0x1400  }
0x34: {  	[sflag:s25] =	ssyncset.done $0x0  }
0x35: {  	s31 =	simm.s32 $0x140;
	[sflag:s25] =	ssyncadd.s32 $0xFFFFEC00  }
0x36: {  	[tilespmem:s16], [sflag:$0x1] =	stream.indirect.gather [spmem:s2], $0x40, s31, s15, $0xb8;
	[tilespmem:$0x1E000] =	vst v63  }
0x37: {  	_ =	swait.ge [sflag:s28], $0x1400  }
0x38: {  	[sflag:s28] =	ssyncset.done $0x0  }
0x39: {  	s31 =	simm.s32 $0x28A0;
	[sflag:s28] =	ssyncadd.s32 $0xFFFFEC00  }
0x3a: {  	[spmem:s3] =	stream.indirect.scatter.add.bf16 [tilespmem:s19], [sflag:$0x7], $0x40, s31, s15, $0xb8;
	[tilespmem:$0x1E000] =	vst v63  }
0x3b: {  	_ =	swait.ge [sflag:s30], $0x1400  }
0x3c: {  	[sflag:s30] =	ssyncset.done $0x0  }
0x3d: {  	s31 =	simm.s32 $0x190;
	[sflag:s30] =	ssyncadd.s32 $0xFFFFEC00  }
0x3e: {  	[tilespmem:s17], [sflag:$0x2] =	stream.indirect.gather [spmem:s2], $0x40, s31, s15, $0xb8;
	[tilespmem:$0x1E000] =	vst v63  }
0x3f: {  	_ =	swait.ge [sflag:s1], $0x1400  }
0x40: {  	[sflag:s1] =	ssyncset.done $0x0  }
0x41: {  	[sflag:s1] =	ssyncadd.s32 $0xFFFFEC00  }
0x42: {  	[spmem:s3] =	stream.indirect.scatter.add.bf16 [tilespmem:s22], [sflag:$0x8], $0x40, s0, s15, $0xb8;
	[tilespmem:$0x1E000] =	vst v63  }
0x43: {  	_ =	swait.ge [sflag:s18], $0x1400  }
0x44: {  	[sflag:s18] =	ssyncset.done $0x0  }
0x45: {  	s31 =	simm.s32 $0x1E0;
	[sflag:s18] =	ssyncadd.s32 $0xFFFFEC00  }
0x46: {  	[tilespmem:s19], [sflag:$0x3] =	stream.indirect.gather [spmem:s2], $0x40, s31, s15, $0xb8;
	[tilespmem:$0x1E000] =	vst v63  }
0x47: {  	_ =	swait.ge [sflag:s20], $0x1400  }
0x48: {  	[sflag:s20] =	ssyncset.done $0x0  }
0x49: {  	s31 =	simm.s32 $0x2940;
	[sflag:s20] =	ssyncadd.s32 $0xFFFFEC00  }
0x4a: {  	[spmem:s3] =	stream.indirect.scatter.add.bf16 [tilespmem:s16], [sflag:$0x5], $0x40, s31, s15, $0xb8;
	[tilespmem:$0x1E000] =	vst v63  }
0x4b: {  	_ =	swait.ge [sflag:s21], $0x1400  }
0x4c: {  	[sflag:s21] =	ssyncset.done $0x0  }
0x4d: {  	s31 =	simm.s32 $0x230;
	[sflag:s21] =	ssyncadd.s32 $0xFFFFEC00  }
0x4e: {  	[tilespmem:s22], [sflag:$0x4] =	stream.indirect.gather [spmem:s2], $0x40, s31, s15, $0xb8;
	[tilespmem:$0x1E000] =	vst v63  }
0x4f: {  	_ =	swait.ge [sflag:s23], $0x1400  }
0x50: {  	[sflag:s23] =	ssyncset.done $0x0  }
0x51: {  	s31 =	simm.s32 $0x2990;
	[sflag:s23] =	ssyncadd.s32 $0xFFFFEC00  }
0x52: {  	[spmem:s3] =	stream.indirect.scatter.add.bf16 [tilespmem:s17], [sflag:$0x6], $0x40, s31, s15, $0xb8;
	[tilespmem:$0x1E000] =	vst v63  }
0x53: {  	_ =	swait.ge [sflag:s25], $0x1400  }
0x54: {  	[sflag:s25] =	ssyncset.done $0x0  }
0x55: {  	s31 =	simm.s32 $0x280;
	[sflag:s25] =	ssyncadd.s32 $0xFFFFEC00  }
0x56: {  	[tilespmem:s16], [sflag:$0x1] =	stream.indirect.gather [spmem:s2], $0x40, s31, s15, $0xb8;
	[tilespmem:$0x1E000] =	vst v63  }
0x57: {  	_ =	swait.ge [sflag:s28], $0x1400  }
0x58: {  	[sflag:s28] =	ssyncset.done $0x0  }
0x59: {  	s31 =	simm.s32 $0x29E0;
	[sflag:s28] =	ssyncadd.s32 $0xFFFFEC00  }
0x5a: {  	[spmem:s3] =	stream.indirect.scatter.add.bf16 [tilespmem:s19], [sflag:$0x7], $0x40, s31, s15, $0xb8;
	[tilespmem:$0x1E000] =	vst v63  }
0x5b: {  	_ =	swait.ge [sflag:s30], $0x1400  }
0x5c: {  	[sflag:s30] =	ssyncset.done $0x0  }
0x5d: {  	s31 =	simm.s32 $0x2D0;
	[sflag:s30] =	ssyncadd.s32 $0xFFFFEC00  }
0x5e: {  	[tilespmem:s17], [sflag:$0x2] =	stream.indirect.gather [spmem:s2], $0x40, s31, s15, $0xb8;
	[tilespmem:$0x1E000] =	vst v63  }
0x5f: {  	_ =	swait.ge [sflag:s1], $0x1400  }
0x60: {  	[sflag:s1] =	ssyncset.done $0x0  }
0x61: {  	s29 =	simm.s32 $0x2A30;
	s26 =	simm.s32 $0x500;
	[sflag:s1] =	ssyncadd.s32 $0xFFFFEC00  }
.LBB2_2:
0x62: {  	[spmem:s3] =	stream.indirect.scatter.add.bf16 [tilespmem:s22], [sflag:$0x8], $0x40, s29, s15, $0xb8;
	[tilespmem:$0x1E000] =	vst v63  }
0x63: {  	s29 =	smov.u32 s26;
	s26 =	sadd.s32 $0x500, s26;
	_ =	swait.ge [sflag:s18], $0x1400  }
0x64: {  	s29 =	sshra.s32 s29, $0x2;
	p0 =	sne.s32 s26, $0x9600;
	[sflag:s18] =	ssyncset.done $0x0  }
0x65: {  	s31 =	sadd.s32 $0x1E0, s29;
	[sflag:s18] =	ssyncadd.s32 $0xFFFFEC00  }
0x66: {  	[tilespmem:s19], [sflag:$0x3] =	stream.indirect.gather [spmem:s2], $0x40, s31, s15, $0xb8;
	[tilespmem:$0x1E000] =	vst v63  }
0x67: {  	_ =	swait.ge [sflag:s20], $0x1400  }
0x68: {  	[sflag:s20] =	ssyncset.done $0x0  }
0x69: {  	s31 =	sadd.s32 $0x2940, s29;
	[sflag:s20] =	ssyncadd.s32 $0xFFFFEC00  }
0x6a: {  	[spmem:s3] =	stream.indirect.scatter.add.bf16 [tilespmem:s16], [sflag:$0x5], $0x40, s31, s15, $0xb8;
	[tilespmem:$0x1E000] =	vst v63  }
0x6b: {  	_ =	swait.ge [sflag:s21], $0x1400  }
0x6c: {  	[sflag:s21] =	ssyncset.done $0x0  }
0x6d: {  	s31 =	sadd.s32 $0x230, s29;
	[sflag:s21] =	ssyncadd.s32 $0xFFFFEC00  }
0x6e: {  	[tilespmem:s22], [sflag:$0x4] =	stream.indirect.gather [spmem:s2], $0x40, s31, s15, $0xb8;
	[tilespmem:$0x1E000] =	vst v63  }
0x6f: {  	_ =	swait.ge [sflag:s23], $0x1400  }
0x70: {  	[sflag:s23] =	ssyncset.done $0x0  }
0x71: {  	s31 =	sadd.s32 $0x2990, s29;
	[sflag:s23] =	ssyncadd.s32 $0xFFFFEC00  }
0x72: {  	[spmem:s3] =	stream.indirect.scatter.add.bf16 [tilespmem:s17], [sflag:$0x6], $0x40, s31, s15, $0xb8;
	[tilespmem:$0x1E000] =	vst v63  }
0x73: {  	_ =	swait.ge [sflag:s25], $0x1400  }
0x74: {  	[sflag:s25] =	ssyncset.done $0x0  }
0x75: {  	s31 =	sadd.s32 $0x280, s29;
	[sflag:s25] =	ssyncadd.s32 $0xFFFFEC00  }
0x76: {  	[tilespmem:s16], [sflag:$0x1] =	stream.indirect.gather [spmem:s2], $0x40, s31, s15, $0xb8;
	[tilespmem:$0x1E000] =	vst v63  }
0x77: {  	_ =	swait.ge [sflag:s28], $0x1400  }
0x78: {  	[sflag:s28] =	ssyncset.done $0x0  }
0x79: {  	s31 =	sadd.s32 $0x29E0, s29;
	[sflag:s28] =	ssyncadd.s32 $0xFFFFEC00  }
0x7a: {  	[spmem:s3] =	stream.indirect.scatter.add.bf16 [tilespmem:s19], [sflag:$0x7], $0x40, s31, s15, $0xb8;
	[tilespmem:$0x1E000] =	vst v63  }
0x7b: {  	_ =	swait.ge [sflag:s30], $0x1400  }
0x7c: {  	[sflag:s30] =	ssyncset.done $0x0  }
.Ltmp0:
0x7d: {  	s31 =	sadd.s32 $0x2D0, s29;
	[sflag:s30] =	ssyncadd.s32 $0xFFFFEC00;
	(pc) =	sbr.rel @p0 .LBB2_2-.Ltmp0, $4  }
0x7e: {  	[tilespmem:s17], [sflag:$0x2] =	stream.indirect.gather [spmem:s2], $0x40, s31, s15, $0xb8;
	[tilespmem:$0x1E000] =	vst v63  }
0x7f: {  	_ =	swait.ge [sflag:s1], $0x1400  }
0x80: {  	[sflag:s1] =	ssyncset.done $0x0  }
0x81: {  	s29 =	sadd.s32 $0x2A30, s29;
	[sflag:s1] =	ssyncadd.s32 $0xFFFFEC00  }
0x82: {  	[spmem:s3] =	stream.indirect.scatter.add.bf16 [tilespmem:s22], [sflag:$0x8], $0x40, s29, s15, $0xb8;
	[tilespmem:$0x1E000] =	vst v63  }
0x83: {  	_ =	swait.ge [sflag:s18], $0x1400  }
0x84: {  	s26 =	sshra.s32 s26, $0x2;
	[sflag:s18] =	ssyncset.done $0x0  }
0x85: {  	s31 =	sadd.s32 $0x1E0, s26;
	[sflag:s18] =	ssyncadd.s32 $0xFFFFEC00  }
0x86: {  	[tilespmem:s19], [sflag:$0x3] =	stream.indirect.gather [spmem:s2], $0x40, s31, s15, $0xb8;
	[tilespmem:$0x1E000] =	vst v63  }
0x87: {  	_ =	swait.ge [sflag:s20], $0x1400  }
0x88: {  	[sflag:s20] =	ssyncset.done $0x0  }
0x89: {  	s31 =	sadd.s32 $0x2940, s26;
	[sflag:s20] =	ssyncadd.s32 $0xFFFFEC00  }
0x8a: {  	[spmem:s3] =	stream.indirect.scatter.add.bf16 [tilespmem:s16], [sflag:$0x5], $0x40, s31, s15, $0xb8;
	[tilespmem:$0x1E000] =	vst v63  }
0x8b: {  	_ =	swait.ge [sflag:s21], $0x1400  }
0x8c: {  	[sflag:s21] =	ssyncset.done $0x0  }
0x8d: {  	s31 =	sadd.s32 $0x230, s26;
	[sflag:s21] =	ssyncadd.s32 $0xFFFFEC00  }
0x8e: {  	[tilespmem:s22], [sflag:$0x4] =	stream.indirect.gather [spmem:s2], $0x40, s31, s15, $0xb8;
	[tilespmem:$0x1E000] =	vst v63  }
0x8f: {  	_ =	swait.ge [sflag:s23], $0x1400  }
0x90: {  	[sflag:s23] =	ssyncset.done $0x0  }
0x91: {  	s31 =	sadd.s32 $0x2990, s26;
	[sflag:s23] =	ssyncadd.s32 $0xFFFFEC00  }
0x92: {  	[spmem:s3] =	stream.indirect.scatter.add.bf16 [tilespmem:s17], [sflag:$0x6], $0x40, s31, s15, $0xb8;
	[tilespmem:$0x1E000] =	vst v63  }
0x93: {  	_ =	swait.ge [sflag:s28], $0x1400  }
0x94: {  	[sflag:s28] =	ssyncset.done $0x0  }
0x95: {  	s31 =	sadd.s32 $0x29E0, s26;
	[sflag:s28] =	ssyncadd.s32 $0xFFFFEC00  }
0x96: {  	[spmem:s3] =	stream.indirect.scatter.add.bf16 [tilespmem:s19], [sflag:$0x7], $0x40, s31, s15, $0xb8;
	[tilespmem:$0x1E000] =	vst v63  }
0x97: {  	_ =	swait.ge [sflag:s1], $0x1400  }
0x98: {  	[sflag:s1] =	ssyncset.done $0x0  }
0x99: {  	s26 =	sadd.s32 $0x2A30, s26;
	[sflag:s1] =	ssyncadd.s32 $0xFFFFEC00  }
0x9a: {  	[spmem:s3] =	stream.indirect.scatter.add.bf16 [tilespmem:s22], [sflag:$0x8], $0x40, s26, s15, $0xb8;
	[tilespmem:$0x1E000] =	vst v63  }
0x9b: {  	_ =	swait.ge [sflag:s25], $0x1400  }
0x9c: {  	[sflag:s25] =	ssyncset.done $0x0  }
0x9d: {  	[sflag:s25] =	ssyncadd.s32 $0xFFFFEC00  }
0x9e: {  	_ =	swait.ge [sflag:s30], $0x1400  }
0x9f: {  	[sflag:s30] =	ssyncset.done $0x0  }
0xa0: {  	[sflag:s30] =	ssyncadd.s32 $0xFFFFEC00  }
0xa1: {  	_ =	swait.ge [sflag:s18], $0x1400  }
0xa2: {  	[sflag:s18] =	ssyncset.done $0x0  }
0xa3: {  	[sflag:s18] =	ssyncadd.s32 $0xFFFFEC00  }
0xa4: {  	_ =	swait.ge [sflag:s21], $0x1400  }
0xa5: {  	[sflag:s21] =	ssyncset.done $0x0  }
0xa6: {  	s24 =	sadd.s32 $0x1, s24;
	[sflag:s21] =	ssyncadd.s32 $0xFFFFEC00  }
0xa7: {  	p0 =	sne.s32 s24, s9;
	[bflag:$0x0] =	sbarrier.arrive $0xFFFF  }
0xa8: {  	[hbm:s8], [sflag:s12] =	dma.local [spmem:s14], $0x1400  }
.Ltmp1:
0xa9: {  	_ =	swait.ge [sflag:s10], $0x1400;
	(pc) =	sbr.rel @p0 .LBB2_1-.Ltmp1, $3  }
0xaa: {  	[sflag:s10] =	ssyncset.done $0x0  }
0xab: {  	[sflag:s10] =	ssyncadd.s32 $0xFFFFEC00  }
0xac: {  	[bflag:$0x0] =	sbarrier.arrive $0xFFFF;
	_ =	sdelay $0x1  }
0xad: {  	_ =	sfence.sel $0x180000  }
0xae: {  	[bflag:$0x0] =	sbarrier.arrive $0xFFFF  }
0xaf: {  	_ =	strace $0x9000004A  }
0xb0: {  	s0 =	stileid.u32;
	[bflag:$0x2] =	sbarrier.arrive $0xFFFF  }
0xb1: {  	p0 =	sne.s32 s0, $0x0;
	s0 =	rddreg [dreg:$0x4]  }
0xb2: {  	s0 =	sadd.s32 @!p0 $0x100000, s0  }
0xb3: {  	[sflag:s0] =	ssyncadd.tile.s32 @!p0 $0x1;
	_ =	shalt  }
.Lfunc_end2:
_tile_overlayer_lowered:
.L_overlay_start_2:
0xb4: {  	(tag) =	ssettag $0x2  }
0xb5: {  	s0 =	rddreg [dreg:$0x0];
	s2 =	stileid.u32  }
0xb6: {  	s1 =	rddreg [dreg:$0x1];
	p0 =	sne.s32 s2, $0x0  }
0xb7: {  	s3 =	rddreg [dreg:$0x2];
	[bflag:$0x3] =	sbarrier.arrive $0xFFFF;
	s2 =	simm.s32 @!p0 $0x1C09  }
0xb8: {  	[timem:s3], [sflag:s2] =	dma.local @!p0 [hbm:s0], s1  }
0xb9: {  	s0 =	simm.s32 @!p0 $0x9  }
0xba: {  	_ =	swait.ge @!p0 [sflag:s0], s1  }
0xbb: {  	s1 =	ssub.s32 @!p0 $0x0, s1;
	[sflag:s0] =	ssyncset.done @!p0 $0x0  }
0xbc: {  	[sflag:s0] =	ssyncadd.s32 @!p0 s1  }
0xbd: {  	[bflag:$0x3] =	sbarrier.arrive $0xFFFF  }
0xbe: {  	_ =	shalt  }

</sc_bundles>
